<compile_context>
chip_gen: v7x
topology: tpu7x:2x2x1
jax: 0.10.2.dev20260603
libtpu: 0.0.44.dev20260713+nightly
codegen_flags: <defaults>
</compile_context>

<pallas_src>
import jax
import jax.numpy as jnp
import numpy as np
from jax.experimental import pallas as pl
from jax.experimental.pallas import tpu as pltpu
from jax.experimental.pallas import tpu_sc as plsc

NUM_HEADS = 12
NUM_FRAMES = 8
FRAME_HW = 780
TOP_K = 3
TOTAL_SELECTED = TOP_K + 1
HEAD_DIM = 64
SCALE = 0.125
_NEG = -3.0e38


def _select_kernel(sim_ref, o_ref):
    sim = sim_ref[...]
    rr = jax.lax.broadcasted_iota(jnp.int32, (NUM_FRAMES, NUM_FRAMES), 0)
    cc = jax.lax.broadcasted_iota(jnp.int32, (NUM_FRAMES, NUM_FRAMES), 1)
    cur = jnp.where(rr == cc, _NEG, sim)
    picks = []
    for _ in range(TOP_K):
        rowmax = jnp.max(cur, axis=1, keepdims=True)
        idx = jnp.min(jnp.where(cur == rowmax, cc, NUM_FRAMES), axis=1,
                      keepdims=True)
        picks.append(idx)
        cur = jnp.where(cc == idx, _NEG, cur)
    oc = jax.lax.broadcasted_iota(jnp.int32, (NUM_FRAMES, TOTAL_SELECTED), 1)
    orow = jax.lax.broadcasted_iota(jnp.int32, (NUM_FRAMES, TOTAL_SELECTED), 0)
    out = jnp.where(oc == 0, orow,
                    jnp.where(oc == 1, picks[0],
                              jnp.where(oc == 2, picks[1], picks[2])))
    o_ref[...] = out


def _select(sim2d):
    return pl.pallas_call(
        _select_kernel,
        out_shape=jax.ShapeDtypeStruct((NUM_FRAMES, TOTAL_SELECTED),
                                       jnp.int32),
    )(sim2d)


def _select_sc(sim2d):
    mesh = plsc.ScalarSubcoreMesh(axis_name="core", num_cores=2)

    @pl.kernel(
        out_type=jax.ShapeDtypeStruct((NUM_FRAMES, TOTAL_SELECTED),
                                      jnp.int32),
        mesh=mesh,
        scratch_types=[pltpu.SMEM((NUM_FRAMES, NUM_FRAMES), jnp.float32),
                       pltpu.SMEM((NUM_FRAMES, TOTAL_SELECTED), jnp.int32),
                       pltpu.SemaphoreType.DMA],
    )
    def sel_kernel(sim_ref, o_ref, sim_s, out_s, sem):
        @pl.when(jax.lax.axis_index("core") == 0)
        def _():
            pltpu.async_copy(sim_ref, sim_s, sem).wait()

            @pl.loop(0, NUM_FRAMES)
            def _(f):
                out_s[f, 0] = f

                def pick(excl1, excl2):
                    def body(j, carry):
                        bv, bi = carry
                        val = sim_s[f, j]
                        ok = ((j != f) & (j != excl1) & (j != excl2)
                              & (val > bv))
                        return (jnp.where(ok, val, bv),
                                jnp.where(ok, j, bi))
                    return jax.lax.fori_loop(
                        0, NUM_FRAMES, body,
                        (jnp.float32(_NEG), jnp.int32(-1)))

                _, i1 = pick(jnp.int32(-1), jnp.int32(-1))
                _, i2 = pick(i1, jnp.int32(-1))
                _, i3 = pick(i1, i2)
                out_s[f, 1] = i1
                out_s[f, 2] = i2
                out_s[f, 3] = i3

            pltpu.async_copy(out_s, o_ref, sem).wait()

    return sel_kernel(sim2d)


HEADS_PER_BLOCK = 6
BLOCK_LANES = HEADS_PER_BLOCK * HEAD_DIM


def _attn_kernel(sel_ref, q_ref, k0, k1, k2, k3, v0, v1, v2, v3, o_ref):
    for hh in range(HEADS_PER_BLOCK):
        sl = slice(hh * HEAD_DIM, (hh + 1) * HEAD_DIM)
        q = q_ref[0][:, sl]
        probs = []
        for kr in (k0, k1, k2, k3):
            s = jax.lax.dot_general(q, kr[0][:, sl], (((1,), (1,)), ((), ())),
                                    preferred_element_type=jnp.float32)
            probs.append(jnp.exp(s).astype(jnp.bfloat16))
        l = None
        for p in probs:
            r = jnp.sum(p, axis=1, keepdims=True, dtype=jnp.float32)
            l = r if l is None else l + r
        acc = None
        for p, vr in zip(probs, (v0, v1, v2, v3)):
            d = jax.lax.dot_general(p, vr[0][:, sl],
                                    (((1,), (0,)), ((), ())),
                                    preferred_element_type=jnp.float32)
            acc = d if acc is None else acc + d
        o_ref[0, :, sl] = acc * (1.0 / l)


def _qo_map(f, g, sel_ref):
    return (f, 0, g)


def _kv_map(slot):
    def index_map(f, g, sel_ref):
        return (sel_ref[f, slot], 0, g)
    return index_map


def _attention(sel, qf, kf, vf, frames_local):
    bspec = lambda im: pl.BlockSpec((1, FRAME_HW, BLOCK_LANES), im)
    return pl.pallas_call(
        _attn_kernel,
        grid_spec=pltpu.PrefetchScalarGridSpec(
            num_scalar_prefetch=1,
            grid=(frames_local, NUM_HEADS // HEADS_PER_BLOCK),
            in_specs=(
                [bspec(_qo_map)]
                + [bspec(_kv_map(s)) for s in range(TOTAL_SELECTED)]
                + [bspec(_kv_map(s)) for s in range(TOTAL_SELECTED)]
            ),
            out_specs=bspec(_qo_map),
        ),
        compiler_params=pltpu.CompilerParams(
            dimension_semantics=("parallel", "parallel")),
        out_shape=jax.ShapeDtypeStruct((frames_local, FRAME_HW, qf.shape[-1]),
                                       jnp.float32),
    )(sel, qf, kf, kf, kf, kf, vf, vf, vf, vf)


def kernel(q, k, v, similarity):
    B, seq_len, dim = q.shape
    sel = _select_sc(similarity.reshape(NUM_FRAMES, NUM_FRAMES))
    qf = (q.reshape(NUM_FRAMES, FRAME_HW, dim) * SCALE).astype(jnp.bfloat16)
    kf = k.reshape(NUM_FRAMES, FRAME_HW, dim).astype(jnp.bfloat16)
    vf = v.reshape(NUM_FRAMES, FRAME_HW, dim).astype(jnp.bfloat16)
    out = _attention(sel, qf, kf, vf, NUM_FRAMES)
    return out.reshape(B, seq_len, dim)

# --- scband reference (transcript-rebuilt; emitter-appended) ---
"""Pipeline reference for scband-sparse-frame-attention-module-72275709657158 (READ-ONLY COPY).

The authoritative reference and input builder live on the scoring server;
editing this copy changes nothing except your own understanding.
"""

import jax, jax.numpy as jnp
import numpy as np

NUM_HEADS = 12
NUM_FRAMES = 8
FRAME_HW = 780
TOP_K = 3
TOTAL_SELECTED = TOP_K + 1


def setup_inputs(seed: int = 0):
    key = jax.random.key(seed)
    kq, kk, kv, ks = jax.random.split(key, 4)
    B = 1
    seq_len = NUM_FRAMES * FRAME_HW
    dim = 768
    q = jax.random.normal(kq, (B, seq_len, dim), dtype=jnp.float32)
    k = jax.random.normal(kk, (B, seq_len, dim), dtype=jnp.float32)
    v = jax.random.normal(kv, (B, seq_len, dim), dtype=jnp.float32)
    similarity = jax.random.normal(ks, (B, NUM_FRAMES, NUM_FRAMES), dtype=jnp.float32)
    return {"q": q, "k": k, "v": v, "similarity": similarity}


def _mha(q, k, v, num_heads):
    b, sq, dim = q.shape
    sk = k.shape[1]
    d = dim // num_heads
    qh = q.reshape(b, sq, num_heads, d).transpose(0, 2, 1, 3)
    kh = k.reshape(b, sk, num_heads, d).transpose(0, 2, 1, 3)
    vh = v.reshape(b, sk, num_heads, d).transpose(0, 2, 1, 3)
    scores = jnp.einsum('bhqd,bhkd->bhqk', qh, kh) / jnp.float32(np.sqrt(d))
    probs = jax.nn.softmax(scores, axis=-1)
    out = jnp.einsum('bhqk,bhkd->bhqd', probs, vh)
    return out.transpose(0, 2, 1, 3).reshape(b, sq, dim)


def reference(q, k, v, similarity):
    B, seq_len, dim = q.shape
    Fn, HW, H = NUM_FRAMES, FRAME_HW, NUM_HEADS
    q_frames = q.reshape(B, Fn, HW, dim)
    k_frames = k.reshape(B, Fn, HW, dim)
    v_frames = v.reshape(B, Fn, HW, dim)
    mask = jnp.eye(Fn, dtype=similarity.dtype) * (-1000000.0)
    sim_masked = similarity + mask[None, :, :]
    topk_vals, topk_idx = jax.lax.top_k(sim_masked, TOP_K)
    self_idx = jnp.broadcast_to(jnp.arange(Fn, dtype=topk_idx.dtype)[None, :, None], (B, Fn, 1))
    selected = jnp.concatenate([self_idx, topk_idx], axis=-1)
    batch_idx = jnp.arange(B)[:, None]
    outs = []
    for f in range(Fn):
        qf = q_frames[:, f]
        sel = selected[:, f]
        k_cand = k_frames[batch_idx, sel]
        v_cand = v_frames[batch_idx, sel]
        k_flat = k_cand.reshape(B, TOTAL_SELECTED * HW, dim)
        v_flat = v_cand.reshape(B, TOTAL_SELECTED * HW, dim)
        outs.append(_mha(qf, k_flat, v_flat, H))
    output = jnp.stack(outs, axis=1)
    return output.reshape(B, Fn * HW, dim)

if __name__ == "__main__":
    import jax
    _d = setup_inputs()
    print(jax.jit(kernel)(*tuple(_d.values())))

</pallas_src>

<mosaic_0001>
#map = affine_map<(d0) -> (0, 0)>
module attributes {stable_mosaic.version = 14 : i64} {
  func.func @sel_kernel(%arg0: i32, %arg1: memref<8x8xf32, #tpu.memory_space<hbm>>, %arg2: memref<8x4xi32, #tpu.memory_space<hbm>>, %arg3: memref<8x8xf32, #tpu.memory_space<smem>>, %arg4: memref<8x4xi32, #tpu.memory_space<smem>>, %arg5: memref<!tpu.dma_semaphore, #tpu.memory_space<semaphore_mem>>) attributes {dimension_semantics = [#tpu.dimension_semantics<core_parallel>], iteration_bounds = array<i64: 2>, scalar_prefetch = 0 : i64, scratch_operands = 3 : i64, tpu.core_type = #tpu.core_type<sc_scalar_subcore>, window_params = [{transform_indices = #map}, {transform_indices = #map}]} {
    %eq3A = arith.constant 0 : i32
    %eq3A_0 = arith.cmpi eq, %arg0, %eq3A : i32
    %convert_element_type3A = arith.extui %eq3A_0 : i1 to i32
    %cond3A = arith.constant 0 : i32
    %cond3A_1 = arith.cmpi ne, %convert_element_type3A, %cond3A : i32
    scf.if %cond3A_1 {
      tpu.enqueue_dma source(%arg1 : memref<8x8xf32, #tpu.memory_space<hbm>>) target(%arg3 : memref<8x8xf32, #tpu.memory_space<smem>>) target_semaphore(%arg5 : memref<!tpu.dma_semaphore, #tpu.memory_space<semaphore_mem>>)
      tpu.wait_dma2 semaphore(%arg5 : memref<!tpu.dma_semaphore, #tpu.memory_space<semaphore_mem>>) src(%arg1 : memref<8x8xf32, #tpu.memory_space<hbm>>) dst(%arg3 : memref<8x8xf32, #tpu.memory_space<smem>>)
      %scan3A = arith.constant 0 : i32
      %scan3A_2 = arith.constant 8 : i32
      %scan3A_3 = arith.addi %scan3A, %scan3A_2 : i32
      %scan3A_4 = arith.constant 1 : i32
      scf.for %scan3A_6 = %scan3A to %scan3A_3 step %scan3A_4  : i32 {
        %mul3A = arith.constant 1 : i32
        %mul3A_7 = arith.muli %scan3A_6, %mul3A : i32
        %add3A = arith.constant 0 : i32
        %add3A_8 = arith.addi %add3A, %mul3A_7 : i32
        %swap3A = arith.constant 0 : i32
        %swap3A_9 = arith.index_cast %add3A_8 : i32 to index
        %swap3A_10 = arith.index_cast %swap3A : i32 to index
        %swap3A_11 = memref.load %arg4[%swap3A_9, %swap3A_10] : memref<8x4xi32, #tpu.memory_space<smem>>
        memref.store %add3A_8, %arg4[%swap3A_9, %swap3A_10] : memref<8x4xi32, #tpu.memory_space<smem>>
        %scan3A_12 = arith.constant -1 : i32
        %scan3A_13 = arith.constant -1 : i32
        %scan3A_14 = arith.constant -3.000000e+38 : f32
        %scan3A_15 = arith.constant -1 : i32
        %scan3A_16 = arith.constant 0 : i32
        %scan3A_17 = arith.constant 8 : i32
        %scan3A_18 = arith.addi %scan3A_16, %scan3A_17 : i32
        %scan3A_19 = arith.constant 1 : i32
        %scan3A_20:2 = scf.for %scan3A_51 = %scan3A_16 to %scan3A_18 step %scan3A_19 iter_args(%scan3A_52 = %scan3A_14, %scan3A_53 = %scan3A_15) -> (f32, i32)  : i32 {
          %get3A = arith.index_cast %add3A_8 : i32 to index
          %get3A_54 = arith.index_cast %scan3A_51 : i32 to index
          %get3A_55 = memref.load %arg3[%get3A, %get3A_54] : memref<8x8xf32, #tpu.memory_space<smem>>
          %ne3A = arith.cmpi ne, %scan3A_51, %add3A_8 : i32
          %ne3A_56 = arith.cmpi ne, %scan3A_51, %scan3A_12 : i32
          %and3A = arith.andi %ne3A, %ne3A_56 : i1
          %ne3A_57 = arith.cmpi ne, %scan3A_51, %scan3A_13 : i32
          %and3A_58 = arith.andi %and3A, %ne3A_57 : i1
          %gt3A = arith.cmpf ogt, %get3A_55, %scan3A_52 : f32
          %and3A_59 = arith.andi %and3A_58, %gt3A : i1
          %select_n3A = arith.select %and3A_59, %get3A_55, %scan3A_52 : f32
          %select_n3A_60 = arith.select %and3A_59, %scan3A_51, %scan3A_53 : i32
          scf.yield %select_n3A, %select_n3A_60 : f32, i32
        }
        %scan3A_21 = arith.constant 8 : i32
        %scan3A_22 = arith.constant -1 : i32
        %scan3A_23 = arith.constant -3.000000e+38 : f32
        %scan3A_24 = arith.constant -1 : i32
        %scan3A_25 = arith.constant 0 : i32
        %scan3A_26 = arith.constant 8 : i32
        %scan3A_27 = arith.addi %scan3A_25, %scan3A_26 : i32
        %scan3A_28 = arith.constant 1 : i32
        %scan3A_29:2 = scf.for %scan3A_51 = %scan3A_25 to %scan3A_27 step %scan3A_28 iter_args(%scan3A_52 = %scan3A_23, %scan3A_53 = %scan3A_24) -> (f32, i32)  : i32 {
          %get3A = arith.index_cast %add3A_8 : i32 to index
          %get3A_54 = arith.index_cast %scan3A_51 : i32 to index
          %get3A_55 = memref.load %arg3[%get3A, %get3A_54] : memref<8x8xf32, #tpu.memory_space<smem>>
          %ne3A = arith.cmpi ne, %scan3A_51, %add3A_8 : i32
          %ne3A_56 = arith.cmpi ne, %scan3A_51, %scan3A_20#1 : i32
          %and3A = arith.andi %ne3A, %ne3A_56 : i1
          %ne3A_57 = arith.cmpi ne, %scan3A_51, %scan3A_22 : i32
          %and3A_58 = arith.andi %and3A, %ne3A_57 : i1
          %gt3A = arith.cmpf ogt, %get3A_55, %scan3A_52 : f32
          %and3A_59 = arith.andi %and3A_58, %gt3A : i1
          %select_n3A = arith.select %and3A_59, %get3A_55, %scan3A_52 : f32
          %select_n3A_60 = arith.select %and3A_59, %scan3A_51, %scan3A_53 : i32
          scf.yield %select_n3A, %select_n3A_60 : f32, i32
        }
        %scan3A_30 = arith.constant 8 : i32
        %scan3A_31 = arith.constant -3.000000e+38 : f32
        %scan3A_32 = arith.constant -1 : i32
        %scan3A_33 = arith.constant 0 : i32
        %scan3A_34 = arith.constant 8 : i32
        %scan3A_35 = arith.addi %scan3A_33, %scan3A_34 : i32
        %scan3A_36 = arith.constant 1 : i32
        %scan3A_37:2 = scf.for %scan3A_51 = %scan3A_33 to %scan3A_35 step %scan3A_36 iter_args(%scan3A_52 = %scan3A_31, %scan3A_53 = %scan3A_32) -> (f32, i32)  : i32 {
          %get3A = arith.index_cast %add3A_8 : i32 to index
          %get3A_54 = arith.index_cast %scan3A_51 : i32 to index
          %get3A_55 = memref.load %arg3[%get3A, %get3A_54] : memref<8x8xf32, #tpu.memory_space<smem>>
          %ne3A = arith.cmpi ne, %scan3A_51, %add3A_8 : i32
          %ne3A_56 = arith.cmpi ne, %scan3A_51, %scan3A_20#1 : i32
          %and3A = arith.andi %ne3A, %ne3A_56 : i1
          %ne3A_57 = arith.cmpi ne, %scan3A_51, %scan3A_29#1 : i32
          %and3A_58 = arith.andi %and3A, %ne3A_57 : i1
          %gt3A = arith.cmpf ogt, %get3A_55, %scan3A_52 : f32
          %and3A_59 = arith.andi %and3A_58, %gt3A : i1
          %select_n3A = arith.select %and3A_59, %get3A_55, %scan3A_52 : f32
          %select_n3A_60 = arith.select %and3A_59, %scan3A_51, %scan3A_53 : i32
          scf.yield %select_n3A, %select_n3A_60 : f32, i32
        }
        %scan3A_38 = arith.constant 8 : i32
        %swap3A_39 = arith.constant 1 : i32
        %swap3A_40 = arith.index_cast %add3A_8 : i32 to index
        %swap3A_41 = arith.index_cast %swap3A_39 : i32 to index
        %swap3A_42 = memref.load %arg4[%swap3A_40, %swap3A_41] : memref<8x4xi32, #tpu.memory_space<smem>>
        memref.store %scan3A_20#1, %arg4[%swap3A_40, %swap3A_41] : memref<8x4xi32, #tpu.memory_space<smem>>
        %swap3A_43 = arith.constant 2 : i32
        %swap3A_44 = arith.index_cast %add3A_8 : i32 to index
        %swap3A_45 = arith.index_cast %swap3A_43 : i32 to index
        %swap3A_46 = memref.load %arg4[%swap3A_44, %swap3A_45] : memref<8x4xi32, #tpu.memory_space<smem>>
        memref.store %scan3A_29#1, %arg4[%swap3A_44, %swap3A_45] : memref<8x4xi32, #tpu.memory_space<smem>>
        %swap3A_47 = arith.constant 3 : i32
        %swap3A_48 = arith.index_cast %add3A_8 : i32 to index
        %swap3A_49 = arith.index_cast %swap3A_47 : i32 to index
        %swap3A_50 = memref.load %arg4[%swap3A_48, %swap3A_49] : memref<8x4xi32, #tpu.memory_space<smem>>
        memref.store %scan3A_37#1, %arg4[%swap3A_48, %swap3A_49] : memref<8x4xi32, #tpu.memory_space<smem>>
      }
      %scan3A_5 = arith.constant 8 : i32
      tpu.enqueue_dma source(%arg4 : memref<8x4xi32, #tpu.memory_space<smem>>) target(%arg2 : memref<8x4xi32, #tpu.memory_space<hbm>>) target_semaphore(%arg5 : memref<!tpu.dma_semaphore, #tpu.memory_space<semaphore_mem>>)
      tpu.wait_dma2 semaphore(%arg5 : memref<!tpu.dma_semaphore, #tpu.memory_space<semaphore_mem>>) src(%arg4 : memref<8x4xi32, #tpu.memory_space<smem>>) dst(%arg2 : memref<8x4xi32, #tpu.memory_space<hbm>>)
    } else {
    }
    return
  }
}

module attributes {stable_mosaic.version = 14 : i64} {
  func.func @_attn_kernel(%arg0: i32, %arg1: i32, %arg2: memref<8x4xi32, #tpu.memory_space<smem>>, %arg3: memref<1x780x384xbf16, #tpu.memory_space<vmem>>, %arg4: memref<1x780x384xbf16, #tpu.memory_space<vmem>>, %arg5: memref<1x780x384xbf16, #tpu.memory_space<vmem>>, %arg6: memref<1x780x384xbf16, #tpu.memory_space<vmem>>, %arg7: memref<1x780x384xbf16, #tpu.memory_space<vmem>>, %arg8: memref<1x780x384xbf16, #tpu.memory_space<vmem>>, %arg9: memref<1x780x384xbf16, #tpu.memory_space<vmem>>, %arg10: memref<1x780x384xbf16, #tpu.memory_space<vmem>>, %arg11: memref<1x780x384xbf16, #tpu.memory_space<vmem>>, %arg12: memref<1x780x384xf32, #tpu.memory_space<vmem>>) attributes {dimension_semantics = [#tpu.dimension_semantics<parallel>, #tpu.dimension_semantics<parallel>], iteration_bounds = array<i64: 8, 2>, scalar_prefetch = 1 : i64, scratch_operands = 0 : i64, tpu.core_type = #tpu.core_type<tc>, window_params = [{transform_indices = @transform_0, window_bounds = array<i64: 1, 780, 384>}, {transform_indices = @transform_1, window_bounds = array<i64: 1, 780, 384>}, {transform_indices = @transform_2, window_bounds = array<i64: 1, 780, 384>}, {transform_indices = @transform_3, window_bounds = array<i64: 1, 780, 384>}, {transform_indices = @transform_4, window_bounds = array<i64: 1, 780, 384>}, {transform_indices = @transform_5, window_bounds = array<i64: 1, 780, 384>}, {transform_indices = @transform_6, window_bounds = array<i64: 1, 780, 384>}, {transform_indices = @transform_7, window_bounds = array<i64: 1, 780, 384>}, {transform_indices = @transform_8, window_bounds = array<i64: 1, 780, 384>}, {transform_indices = @transform_9, window_bounds = array<i64: 1, 780, 384>}]} {
    %get3A = arith.constant 0 : index
    %get3A_0 = arith.constant 0 : index
    %get3A_1 = arith.constant 0 : index
    %get3A_2 = vector.load %arg3[%get3A, %get3A_0, %get3A_1] : memref<1x780x384xbf16, #tpu.memory_space<vmem>>, vector<1x780x384xbf16>
    %get3A_3 = vector.shape_cast %get3A_2 : vector<1x780x384xbf16> to vector<780x384xbf16>
    %slice3A = vector.extract_strided_slice %get3A_3 {offsets = [0, 0], sizes = [780, 64], strides = [1, 1]} : vector<780x384xbf16> to vector<780x64xbf16>
    %get3A_4 = arith.constant 0 : index
    %get3A_5 = arith.constant 0 : index
    %get3A_6 = arith.constant 0 : index
    %get3A_7 = vector.load %arg4[%get3A_4, %get3A_5, %get3A_6] : memref<1x780x384xbf16, #tpu.memory_space<vmem>>, vector<1x780x384xbf16>
    %get3A_8 = vector.shape_cast %get3A_7 : vector<1x780x384xbf16> to vector<780x384xbf16>
    %slice3A_9 = vector.extract_strided_slice %get3A_8 {offsets = [0, 0], sizes = [780, 64], strides = [1, 1]} : vector<780x384xbf16> to vector<780x64xbf16>
    %dot_general3A = arith.constant dense<0.000000e+00> : vector<780x780xf32>
    %dot_general3A_10 = tpu.matmul %slice3A, %slice3A_9, %dot_general3A {dimension_numbers = #tpu.dot_dimension_numbers<[1], [1], [0], [0], [0, 0, 1, 0], [], []>, transpose_lhs_hint = false} : vector<780x64xbf16>, vector<780x64xbf16>, vector<780x780xf32> -> vector<780x780xf32>
    %exp3A = math.exp %dot_general3A_10 : vector<780x780xf32>
    %convert_element_type3A = arith.truncf %exp3A : vector<780x780xf32> to vector<780x780xbf16>
    %get3A_11 = arith.constant 0 : index
    %get3A_12 = arith.constant 0 : index
    %get3A_13 = arith.constant 0 : index
    %get3A_14 = vector.load %arg5[%get3A_11, %get3A_12, %get3A_13] : memref<1x780x384xbf16, #tpu.memory_space<vmem>>, vector<1x780x384xbf16>
    %get3A_15 = vector.shape_cast %get3A_14 : vector<1x780x384xbf16> to vector<780x384xbf16>
    %slice3A_16 = vector.extract_strided_slice %get3A_15 {offsets = [0, 0], sizes = [780, 64], strides = [1, 1]} : vector<780x384xbf16> to vector<780x64xbf16>
    %dot_general3A_17 = arith.constant dense<0.000000e+00> : vector<780x780xf32>
    %dot_general3A_18 = tpu.matmul %slice3A, %slice3A_16, %dot_general3A_17 {dimension_numbers = #tpu.dot_dimension_numbers<[1], [1], [0], [0], [0, 0, 1, 0], [], []>, transpose_lhs_hint = false} : vector<780x64xbf16>, vector<780x64xbf16>, vector<780x780xf32> -> vector<780x780xf32>
    %exp3A_19 = math.exp %dot_general3A_18 : vector<780x780xf32>
    %convert_element_type3A_20 = arith.truncf %exp3A_19 : vector<780x780xf32> to vector<780x780xbf16>
    %get3A_21 = arith.constant 0 : index
    %get3A_22 = arith.constant 0 : index
    %get3A_23 = arith.constant 0 : index
    %get3A_24 = vector.load %arg6[%get3A_21, %get3A_22, %get3A_23] : memref<1x780x384xbf16, #tpu.memory_space<vmem>>, vector<1x780x384xbf16>
    %get3A_25 = vector.shape_cast %get3A_24 : vector<1x780x384xbf16> to vector<780x384xbf16>
    %slice3A_26 = vector.extract_strided_slice %get3A_25 {offsets = [0, 0], sizes = [780, 64], strides = [1, 1]} : vector<780x384xbf16> to vector<780x64xbf16>
    %dot_general3A_27 = arith.constant dense<0.000000e+00> : vector<780x780xf32>
    %dot_general3A_28 = tpu.matmul %slice3A, %slice3A_26, %dot_general3A_27 {dimension_numbers = #tpu.dot_dimension_numbers<[1], [1], [0], [0], [0, 0, 1, 0], [], []>, transpose_lhs_hint = false} : vector<780x64xbf16>, vector<780x64xbf16>, vector<780x780xf32> -> vector<780x780xf32>
    %exp3A_29 = math.exp %dot_general3A_28 : vector<780x780xf32>
    %convert_element_type3A_30 = arith.truncf %exp3A_29 : vector<780x780xf32> to vector<780x780xbf16>
    %get3A_31 = arith.constant 0 : index
    %get3A_32 = arith.constant 0 : index
    %get3A_33 = arith.constant 0 : index
    %get3A_34 = vector.load %arg7[%get3A_31, %get3A_32, %get3A_33] : memref<1x780x384xbf16, #tpu.memory_space<vmem>>, vector<1x780x384xbf16>
    %get3A_35 = vector.shape_cast %get3A_34 : vector<1x780x384xbf16> to vector<780x384xbf16>
    %slice3A_36 = vector.extract_strided_slice %get3A_35 {offsets = [0, 0], sizes = [780, 64], strides = [1, 1]} : vector<780x384xbf16> to vector<780x64xbf16>
    %dot_general3A_37 = arith.constant dense<0.000000e+00> : vector<780x780xf32>
    %dot_general3A_38 = tpu.matmul %slice3A, %slice3A_36, %dot_general3A_37 {dimension_numbers = #tpu.dot_dimension_numbers<[1], [1], [0], [0], [0, 0, 1, 0], [], []>, transpose_lhs_hint = false} : vector<780x64xbf16>, vector<780x64xbf16>, vector<780x780xf32> -> vector<780x780xf32>
    %exp3A_39 = math.exp %dot_general3A_38 : vector<780x780xf32>
    %convert_element_type3A_40 = arith.truncf %exp3A_39 : vector<780x780xf32> to vector<780x780xbf16>
    %convert_element_type3A_41 = arith.extf %convert_element_type3A : vector<780x780xbf16> to vector<780x780xf32>
    %reduce_sum3A = arith.constant dense<0.000000e+00> : vector<780xf32>
    %reduce_sum3A_42 = vector.multi_reduction <add>, %convert_element_type3A_41, %reduce_sum3A [1] : vector<780x780xf32> to vector<780xf32>
    %broadcast_in_dim3A = vector.shape_cast %reduce_sum3A_42 : vector<780xf32> to vector<780x1xf32>
    %convert_element_type3A_43 = arith.extf %convert_element_type3A_20 : vector<780x780xbf16> to vector<780x780xf32>
    %reduce_sum3A_44 = arith.constant dense<0.000000e+00> : vector<780xf32>
    %reduce_sum3A_45 = vector.multi_reduction <add>, %convert_element_type3A_43, %reduce_sum3A_44 [1] : vector<780x780xf32> to vector<780xf32>
    %broadcast_in_dim3A_46 = vector.shape_cast %reduce_sum3A_45 : vector<780xf32> to vector<780x1xf32>
    %add3A = arith.addf %broadcast_in_dim3A, %broadcast_in_dim3A_46 : vector<780x1xf32>
    %convert_element_type3A_47 = arith.extf %convert_element_type3A_30 : vector<780x780xbf16> to vector<780x780xf32>
    %reduce_sum3A_48 = arith.constant dense<0.000000e+00> : vector<780xf32>
    %reduce_sum3A_49 = vector.multi_reduction <add>, %convert_element_type3A_47, %reduce_sum3A_48 [1] : vector<780x780xf32> to vector<780xf32>
    %broadcast_in_dim3A_50 = vector.shape_cast %reduce_sum3A_49 : vector<780xf32> to vector<780x1xf32>
    %add3A_51 = arith.addf %add3A, %broadcast_in_dim3A_50 : vector<780x1xf32>
    %convert_element_type3A_52 = arith.extf %convert_element_type3A_40 : vector<780x780xbf16> to vector<780x780xf32>
    %reduce_sum3A_53 = arith.constant dense<0.000000e+00> : vector<780xf32>
    %reduce_sum3A_54 = vector.multi_reduction <add>, %convert_element_type3A_52, %reduce_sum3A_53 [1] : vector<780x780xf32> to vector<780xf32>
    %broadcast_in_dim3A_55 = vector.shape_cast %reduce_sum3A_54 : vector<780xf32> to vector<780x1xf32>
    %add3A_56 = arith.addf %add3A_51, %broadcast_in_dim3A_55 : vector<780x1xf32>
    %get3A_57 = arith.constant 0 : index
    %get3A_58 = arith.constant 0 : index
    %get3A_59 = arith.constant 0 : index
    %get3A_60 = vector.load %arg8[%get3A_57, %get3A_58, %get3A_59] : memref<1x780x384xbf16, #tpu.memory_space<vmem>>, vector<1x780x384xbf16>
    %get3A_61 = vector.shape_cast %get3A_60 : vector<1x780x384xbf16> to vector<780x384xbf16>
    %slice3A_62 = vector.extract_strided_slice %get3A_61 {offsets = [0, 0], sizes = [780, 64], strides = [1, 1]} : vector<780x384xbf16> to vector<780x64xbf16>
    %dot_general3A_63 = arith.constant dense<0.000000e+00> : vector<780x64xf32>
    %dot_general3A_64 = tpu.matmul %convert_element_type3A, %slice3A_62, %dot_general3A_63 {dimension_numbers = #tpu.dot_dimension_numbers<[1], [0], [0], [1], [0, 0, 1, 1], [], []>, transpose_lhs_hint = false} : vector<780x780xbf16>, vector<780x64xbf16>, vector<780x64xf32> -> vector<780x64xf32>
    %get3A_65 = arith.constant 0 : index
    %get3A_66 = arith.constant 0 : index
    %get3A_67 = arith.constant 0 : index
    %get3A_68 = vector.load %arg9[%get3A_65, %get3A_66, %get3A_67] : memref<1x780x384xbf16, #tpu.memory_space<vmem>>, vector<1x780x384xbf16>
    %get3A_69 = vector.shape_cast %get3A_68 : vector<1x780x384xbf16> to vector<780x384xbf16>
    %slice3A_70 = vector.extract_strided_slice %get3A_69 {offsets = [0, 0], sizes = [780, 64], strides = [1, 1]} : vector<780x384xbf16> to vector<780x64xbf16>
    %dot_general3A_71 = arith.constant dense<0.000000e+00> : vector<780x64xf32>
    %dot_general3A_72 = tpu.matmul %convert_element_type3A_20, %slice3A_70, %dot_general3A_71 {dimension_numbers = #tpu.dot_dimension_numbers<[1], [0], [0], [1], [0, 0, 1, 1], [], []>, transpose_lhs_hint = false} : vector<780x780xbf16>, vector<780x64xbf16>, vector<780x64xf32> -> vector<780x64xf32>
    %add3A_73 = arith.addf %dot_general3A_64, %dot_general3A_72 : vector<780x64xf32>
    %get3A_74 = arith.constant 0 : index
    %get3A_75 = arith.constant 0 : index
    %get3A_76 = arith.constant 0 : index
    %get3A_77 = vector.load %arg10[%get3A_74, %get3A_75, %get3A_76] : memref<1x780x384xbf16, #tpu.memory_space<vmem>>, vector<1x780x384xbf16>
    %get3A_78 = vector.shape_cast %get3A_77 : vector<1x780x384xbf16> to vector<780x384xbf16>
    %slice3A_79 = vector.extract_strided_slice %get3A_78 {offsets = [0, 0], sizes = [780, 64], strides = [1, 1]} : vector<780x384xbf16> to vector<780x64xbf16>
    %dot_general3A_80 = arith.constant dense<0.000000e+00> : vector<780x64xf32>
    %dot_general3A_81 = tpu.matmul %convert_element_type3A_30, %slice3A_79, %dot_general3A_80 {dimension_numbers = #tpu.dot_dimension_numbers<[1], [0], [0], [1], [0, 0, 1, 1], [], []>, transpose_lhs_hint = false} : vector<780x780xbf16>, vector<780x64xbf16>, vector<780x64xf32> -> vector<780x64xf32>
    %add3A_82 = arith.addf %add3A_73, %dot_general3A_81 : vector<780x64xf32>
    %get3A_83 = arith.constant 0 : index
    %get3A_84 = arith.constant 0 : index
    %get3A_85 = arith.constant 0 : index
    %get3A_86 = vector.load %arg11[%get3A_83, %get3A_84, %get3A_85] : memref<1x780x384xbf16, #tpu.memory_space<vmem>>, vector<1x780x384xbf16>
    %get3A_87 = vector.shape_cast %get3A_86 : vector<1x780x384xbf16> to vector<780x384xbf16>
    %slice3A_88 = vector.extract_strided_slice %get3A_87 {offsets = [0, 0], sizes = [780, 64], strides = [1, 1]} : vector<780x384xbf16> to vector<780x64xbf16>
    %dot_general3A_89 = arith.constant dense<0.000000e+00> : vector<780x64xf32>
    %dot_general3A_90 = tpu.matmul %convert_element_type3A_40, %slice3A_88, %dot_general3A_89 {dimension_numbers = #tpu.dot_dimension_numbers<[1], [0], [0], [1], [0, 0, 1, 1], [], []>, transpose_lhs_hint = false} : vector<780x780xbf16>, vector<780x64xbf16>, vector<780x64xf32> -> vector<780x64xf32>
    %add3A_91 = arith.addf %add3A_82, %dot_general3A_90 : vector<780x64xf32>
    %div3A = arith.constant 1.000000e+00 : f32
    %div3A_92 = vector.broadcast %div3A : f32 to vector<780x1xf32>
    %div3A_93 = arith.divf %div3A_92, %add3A_56 : vector<780x1xf32>
    %mul3A = vector.broadcast %div3A_93 : vector<780x1xf32> to vector<780x64xf32>
    %mul3A_94 = arith.mulf %add3A_91, %mul3A : vector<780x64xf32>
    %swap3A = arith.constant 0 : index
    %swap3A_95 = arith.constant 0 : index
    %swap3A_96 = arith.constant 0 : index
    %swap3A_97 = vector.load %arg12[%swap3A, %swap3A_95, %swap3A_96] : memref<1x780x384xf32, #tpu.memory_space<vmem>>, vector<1x780x64xf32>
    %swap3A_98 = vector.shape_cast %swap3A_97 : vector<1x780x64xf32> to vector<780x64xf32>
    %swap3A_99 = vector.shape_cast %mul3A_94 : vector<780x64xf32> to vector<1x780x64xf32>
    tpu.vector_store %arg12[%swap3A, %swap3A_95, %swap3A_96], %swap3A_99 {strides = array<i32>} : memref<1x780x384xf32, #tpu.memory_space<vmem>>, vector<1x780x64xf32>,
    %get3A_100 = arith.constant 0 : index
    %get3A_101 = arith.constant 0 : index
    %get3A_102 = arith.constant 0 : index
    %get3A_103 = vector.load %arg3[%get3A_100, %get3A_101, %get3A_102] : memref<1x780x384xbf16, #tpu.memory_space<vmem>>, vector<1x780x384xbf16>
    %get3A_104 = vector.shape_cast %get3A_103 : vector<1x780x384xbf16> to vector<780x384xbf16>
    %slice3A_105 = vector.extract_strided_slice %get3A_104 {offsets = [0, 64], sizes = [780, 64], strides = [1, 1]} : vector<780x384xbf16> to vector<780x64xbf16>
    %get3A_106 = arith.constant 0 : index
    %get3A_107 = arith.constant 0 : index
    %get3A_108 = arith.constant 0 : index
    %get3A_109 = vector.load %arg4[%get3A_106, %get3A_107, %get3A_108] : memref<1x780x384xbf16, #tpu.memory_space<vmem>>, vector<1x780x384xbf16>
    %get3A_110 = vector.shape_cast %get3A_109 : vector<1x780x384xbf16> to vector<780x384xbf16>
    %slice3A_111 = vector.extract_strided_slice %get3A_110 {offsets = [0, 64], sizes = [780, 64], strides = [1, 1]} : vector<780x384xbf16> to vector<780x64xbf16>
    %dot_general3A_112 = arith.constant dense<0.000000e+00> : vector<780x780xf32>
    %dot_general3A_113 = tpu.matmul %slice3A_105, %slice3A_111, %dot_general3A_112 {dimension_numbers = #tpu.dot_dimension_numbers<[1], [1], [0], [0], [0, 0, 1, 0], [], []>, transpose_lhs_hint = false} : vector<780x64xbf16>, vector<780x64xbf16>, vector<780x780xf32> -> vector<780x780xf32>
    %exp3A_114 = math.exp %dot_general3A_113 : vector<780x780xf32>
    %convert_element_type3A_115 = arith.truncf %exp3A_114 : vector<780x780xf32> to vector<780x780xbf16>
    %get3A_116 = arith.constant 0 : index
    %get3A_117 = arith.constant 0 : index
    %get3A_118 = arith.constant 0 : index
    %get3A_119 = vector.load %arg5[%get3A_116, %get3A_117, %get3A_118] : memref<1x780x384xbf16, #tpu.memory_space<vmem>>, vector<1x780x384xbf16>
    %get3A_120 = vector.shape_cast %get3A_119 : vector<1x780x384xbf16> to vector<780x384xbf16>
    %slice3A_121 = vector.extract_strided_slice %get3A_120 {offsets = [0, 64], sizes = [780, 64], strides = [1, 1]} : vector<780x384xbf16> to vector<780x64xbf16>
    %dot_general3A_122 = arith.constant dense<0.000000e+00> : vector<780x780xf32>
    %dot_general3A_123 = tpu.matmul %slice3A_105, %slice3A_121, %dot_general3A_122 {dimension_numbers = #tpu.dot_dimension_numbers<[1], [1], [0], [0], [0, 0, 1, 0], [], []>, transpose_lhs_hint = false} : vector<780x64xbf16>, vector<780x64xbf16>, vector<780x780xf32> -> vector<780x780xf32>
    %exp3A_124 = math.exp %dot_general3A_123 : vector<780x780xf32>
    %convert_element_type3A_125 = arith.truncf %exp3A_124 : vector<780x780xf32> to vector<780x780xbf16>
    %get3A_126 = arith.constant 0 : index
    %get3A_127 = arith.constant 0 : index
    %get3A_128 = arith.constant 0 : index
    %get3A_129 = vector.load %arg6[%get3A_126, %get3A_127, %get3A_128] : memref<1x780x384xbf16, #tpu.memory_space<vmem>>, vector<1x780x384xbf16>
    %get3A_130 = vector.shape_cast %get3A_129 : vector<1x780x384xbf16> to vector<780x384xbf16>
    %slice3A_131 = vector.extract_strided_slice %get3A_130 {offsets = [0, 64], sizes = [780, 64], strides = [1, 1]} : vector<780x384xbf16> to vector<780x64xbf16>
    %dot_general3A_132 = arith.constant dense<0.000000e+00> : vector<780x780xf32>
    %dot_general3A_133 = tpu.matmul %slice3A_105, %slice3A_131, %dot_general3A_132 {dimension_numbers = #tpu.dot_dimension_numbers<[1], [1], [0], [0], [0, 0, 1, 0], [], []>, transpose_lhs_hint = false} : vector<780x64xbf16>, vector<780x64xbf16>, vector<780x780xf32> -> vector<780x780xf32>
    %exp3A_134 = math.exp %dot_general3A_133 : vector<780x780xf32>
    %convert_element_type3A_135 = arith.truncf %exp3A_134 : vector<780x780xf32> to vector<780x780xbf16>
    %get3A_136 = arith.constant 0 : index
    %get3A_137 = arith.constant 0 : index
    %get3A_138 = arith.constant 0 : index
    %get3A_139 = vector.load %arg7[%get3A_136, %get3A_137, %get3A_138] : memref<1x780x384xbf16, #tpu.memory_space<vmem>>, vector<1x780x384xbf16>
    %get3A_140 = vector.shape_cast %get3A_139 : vector<1x780x384xbf16> to vector<780x384xbf16>
    %slice3A_141 = vector.extract_strided_slice %get3A_140 {offsets = [0, 64], sizes = [780, 64], strides = [1, 1]} : vector<780x384xbf16> to vector<780x64xbf16>
    %dot_general3A_142 = arith.constant dense<0.000000e+00> : vector<780x780xf32>
    %dot_general3A_143 = tpu.matmul %slice3A_105, %slice3A_141, %dot_general3A_142 {dimension_numbers = #tpu.dot_dimension_numbers<[1], [1], [0], [0], [0, 0, 1, 0], [], []>, transpose_lhs_hint = false} : vector<780x64xbf16>, vector<780x64xbf16>, vector<780x780xf32> -> vector<780x780xf32>
    %exp3A_144 = math.exp %dot_general3A_143 : vector<780x780xf32>
    %convert_element_type3A_145 = arith.truncf %exp3A_144 : vector<780x780xf32> to vector<780x780xbf16>
    %convert_element_type3A_146 = arith.extf %convert_element_type3A_115 : vector<780x780xbf16> to vector<780x780xf32>
    %reduce_sum3A_147 = arith.constant dense<0.000000e+00> : vector<780xf32>
    %reduce_sum3A_148 = vector.multi_reduction <add>, %convert_element_type3A_146, %reduce_sum3A_147 [1] : vector<780x780xf32> to vector<780xf32>
    %broadcast_in_dim3A_149 = vector.shape_cast %reduce_sum3A_148 : vector<780xf32> to vector<780x1xf32>
    %convert_element_type3A_150 = arith.extf %convert_element_type3A_125 : vector<780x780xbf16> to vector<780x780xf32>
    %reduce_sum3A_151 = arith.constant dense<0.000000e+00> : vector<780xf32>
    %reduce_sum3A_152 = vector.multi_reduction <add>, %convert_element_type3A_150, %reduce_sum3A_151 [1] : vector<780x780xf32> to vector<780xf32>
    %broadcast_in_dim3A_153 = vector.shape_cast %reduce_sum3A_152 : vector<780xf32> to vector<780x1xf32>
    %add3A_154 = arith.addf %broadcast_in_dim3A_149, %broadcast_in_dim3A_153 : vector<780x1xf32>
    %convert_element_type3A_155 = arith.extf %convert_element_type3A_135 : vector<780x780xbf16> to vector<780x780xf32>
    %reduce_sum3A_156 = arith.constant dense<0.000000e+00> : vector<780xf32>
    %reduce_sum3A_157 = vector.multi_reduction <add>, %convert_element_type3A_155, %reduce_sum3A_156 [1] : vector<780x780xf32> to vector<780xf32>
    %broadcast_in_dim3A_158 = vector.shape_cast %reduce_sum3A_157 : vector<780xf32> to vector<780x1xf32>
    %add3A_159 = arith.addf %add3A_154, %broadcast_in_dim3A_158 : vector<780x1xf32>
    %convert_element_type3A_160 = arith.extf %convert_element_type3A_145 : vector<780x780xbf16> to vector<780x780xf32>
    %reduce_sum3A_161 = arith.constant dense<0.000000e+00> : vector<780xf32>
    %reduce_sum3A_162 = vector.multi_reduction <add>, %convert_element_type3A_160, %reduce_sum3A_161 [1] : vector<780x780xf32> to vector<780xf32>
    %broadcast_in_dim3A_163 = vector.shape_cast %reduce_sum3A_162 : vector<780xf32> to vector<780x1xf32>
    %add3A_164 = arith.addf %add3A_159, %broadcast_in_dim3A_163 : vector<780x1xf32>
    %get3A_165 = arith.constant 0 : index
    %get3A_166 = arith.constant 0 : index
    %get3A_167 = arith.constant 0 : index
    %get3A_168 = vector.load %arg8[%get3A_165, %get3A_166, %get3A_167] : memref<1x780x384xbf16, #tpu.memory_space<vmem>>, vector<1x780x384xbf16>
    %get3A_169 = vector.shape_cast %get3A_168 : vector<1x780x384xbf16> to vector<780x384xbf16>
    %slice3A_170 = vector.extract_strided_slice %get3A_169 {offsets = [0, 64], sizes = [780, 64], strides = [1, 1]} : vector<780x384xbf16> to vector<780x64xbf16>
    %dot_general3A_171 = arith.constant dense<0.000000e+00> : vector<780x64xf32>
    %dot_general3A_172 = tpu.matmul %convert_element_type3A_115, %slice3A_170, %dot_general3A_171 {dimension_numbers = #tpu.dot_dimension_numbers<[1], [0], [0], [1], [0, 0, 1, 1], [], []>, transpose_lhs_hint = false} : vector<780x780xbf16>, vector<780x64xbf16>, vector<780x64xf32> -> vector<780x64xf32>
    %get3A_173 = arith.constant 0 : index
    %get3A_174 = arith.constant 0 : index
    %get3A_175 = arith.constant 0 : index
    %get3A_176 = vector.load %arg9[%get3A_173, %get3A_174, %get3A_175] : memref<1x780x384xbf16, #tpu.memory_space<vmem>>, vector<1x780x384xbf16>
    %get3A_177 = vector.shape_cast %get3A_176 : vector<1x780x384xbf16> to vector<780x384xbf16>
    %slice3A_178 = vector.extract_strided_slice %get3A_177 {offsets = [0, 64], sizes = [780, 64], strides = [1, 1]} : vector<780x384xbf16> to vector<780x64xbf16>
    %dot_general3A_179 = arith.constant dense<0.000000e+00> : vector<780x64xf32>
    %dot_general3A_180 = tpu.matmul %convert_element_type3A_125, %slice3A_178, %dot_general3A_179 {dimension_numbers = #tpu.dot_dimension_numbers<[1], [0], [0], [1], [0, 0, 1, 1], [], []>, transpose_lhs_hint = false} : vector<780x780xbf16>, vector<780x64xbf16>, vector<780x64xf32> -> vector<780x64xf32>
    %add3A_181 = arith.addf %dot_general3A_172, %dot_general3A_180 : vector<780x64xf32>
    %get3A_182 = arith.constant 0 : index
    %get3A_183 = arith.constant 0 : index
    %get3A_184 = arith.constant 0 : index
    %get3A_185 = vector.load %arg10[%get3A_182, %get3A_183, %get3A_184] : memref<1x780x384xbf16, #tpu.memory_space<vmem>>, vector<1x780x384xbf16>
    %get3A_186 = vector.shape_cast %get3A_185 : vector<1x780x384xbf16> to vector<780x384xbf16>
    %slice3A_187 = vector.extract_strided_slice %get3A_186 {offsets = [0, 64], sizes = [780, 64], strides = [1, 1]} : vector<780x384xbf16> to vector<780x64xbf16>
    %dot_general3A_188 = arith.constant dense<0.000000e+00> : vector<780x64xf32>
    %dot_general3A_189 = tpu.matmul %convert_element_type3A_135, %slice3A_187, %dot_general3A_188 {dimension_numbers = #tpu.dot_dimension_numbers<[1], [0], [0], [1], [0, 0, 1, 1], [], []>, transpose_lhs_hint = false} : vector<780x780xbf16>, vector<780x64xbf16>, vector<780x64xf32> -> vector<780x64xf32>
    %add3A_190 = arith.addf %add3A_181, %dot_general3A_189 : vector<780x64xf32>
    %get3A_191 = arith.constant 0 : index
    %get3A_192 = arith.constant 0 : index
    %get3A_193 = arith.constant 0 : index
    %get3A_194 = vector.load %arg11[%get3A_191, %get3A_192, %get3A_193] : memref<1x780x384xbf16, #tpu.memory_space<vmem>>, vector<1x780x384xbf16>
    %get3A_195 = vector.shape_cast %get3A_194 : vector<1x780x384xbf16> to vector<780x384xbf16>
    %slice3A_196 = vector.extract_strided_slice %get3A_195 {offsets = [0, 64], sizes = [780, 64], strides = [1, 1]} : vector<780x384xbf16> to vector<780x64xbf16>
    %dot_general3A_197 = arith.constant dense<0.000000e+00> : vector<780x64xf32>
    %dot_general3A_198 = tpu.matmul %convert_element_type3A_145, %slice3A_196, %dot_general3A_197 {dimension_numbers = #tpu.dot_dimension_numbers<[1], [0], [0], [1], [0, 0, 1, 1], [], []>, transpose_lhs_hint = false} : vector<780x780xbf16>, vector<780x64xbf16>, vector<780x64xf32> -> vector<780x64xf32>
    %add3A_199 = arith.addf %add3A_190, %dot_general3A_198 : vector<780x64xf32>
    %div3A_200 = arith.constant 1.000000e+00 : f32
    %div3A_201 = vector.broadcast %div3A_200 : f32 to vector<780x1xf32>
    %div3A_202 = arith.divf %div3A_201, %add3A_164 : vector<780x1xf32>
    %mul3A_203 = vector.broadcast %div3A_202 : vector<780x1xf32> to vector<780x64xf32>
    %mul3A_204 = arith.mulf %add3A_199, %mul3A_203 : vector<780x64xf32>
    %swap3A_205 = arith.constant 0 : index
    %swap3A_206 = arith.constant 0 : index
    %swap3A_207 = arith.constant 64 : index
    %swap3A_208 = vector.load %arg12[%swap3A_205, %swap3A_206, %swap3A_207] : memref<1x780x384xf32, #tpu.memory_space<vmem>>, vector<1x780x64xf32>
    %swap3A_209 = vector.shape_cast %swap3A_208 : vector<1x780x64xf32> to vector<780x64xf32>
    %swap3A_210 = vector.shape_cast %mul3A_204 : vector<780x64xf32> to vector<1x780x64xf32>
    tpu.vector_store %arg12[%swap3A_205, %swap3A_206, %swap3A_207], %swap3A_210 {strides = array<i32>} : memref<1x780x384xf32, #tpu.memory_space<vmem>>, vector<1x780x64xf32>,
    %get3A_211 = arith.constant 0 : index
    %get3A_212 = arith.constant 0 : index
    %get3A_213 = arith.constant 0 : index
    %get3A_214 = vector.load %arg3[%get3A_211, %get3A_212, %get3A_213] : memref<1x780x384xbf16, #tpu.memory_space<vmem>>, vector<1x780x384xbf16>
    %get3A_215 = vector.shape_cast %get3A_214 : vector<1x780x384xbf16> to vector<780x384xbf16>
    %slice3A_216 = vector.extract_strided_slice %get3A_215 {offsets = [0, 128], sizes = [780, 64], strides = [1, 1]} : vector<780x384xbf16> to vector<780x64xbf16>
    %get3A_217 = arith.constant 0 : index
    %get3A_218 = arith.constant 0 : index
    %get3A_219 = arith.constant 0 : index
    %get3A_220 = vector.load %arg4[%get3A_217, %get3A_218, %get3A_219] : memref<1x780x384xbf16, #tpu.memory_space<vmem>>, vector<1x780x384xbf16>
    %get3A_221 = vector.shape_cast %get3A_220 : vector<1x780x384xbf16> to vector<780x384xbf16>
    %slice3A_222 = vector.extract_strided_slice %get3A_221 {offsets = [0, 128], sizes = [780, 64], strides = [1, 1]} : vector<780x384xbf16> to vector<780x64xbf16>
    %dot_general3A_223 = arith.constant dense<0.000000e+00> : vector<780x780xf32>
    %dot_general3A_224 = tpu.matmul %slice3A_216, %slice3A_222, %dot_general3A_223 {dimension_numbers = #tpu.dot_dimension_numbers<[1], [1], [0], [0], [0, 0, 1, 0], [], []>, transpose_lhs_hint = false} : vector<780x64xbf16>, vector<780x64xbf16>, vector<780x780xf32> -> vector<780x780xf32>
    %exp3A_225 = math.exp %dot_general3A_224 : vector<780x780xf32>
    %convert_element_type3A_226 = arith.truncf %exp3A_225 : vector<780x780xf32> to vector<780x780xbf16>
    %get3A_227 = arith.constant 0 : index
    %get3A_228 = arith.constant 0 : index
    %get3A_229 = arith.constant 0 : index
    %get3A_230 = vector.load %arg5[%get3A_227, %get3A_228, %get3A_229] : memref<1x780x384xbf16, #tpu.memory_space<vmem>>, vector<1x780x384xbf16>
    %get3A_231 = vector.shape_cast %get3A_230 : vector<1x780x384xbf16> to vector<780x384xbf16>
    %slice3A_232 = vector.extract_strided_slice %get3A_231 {offsets = [0, 128], sizes = [780, 64], strides = [1, 1]} : vector<780x384xbf16> to vector<780x64xbf16>
    %dot_general3A_233 = arith.constant dense<0.000000e+00> : vector<780x780xf32>
    %dot_general3A_234 = tpu.matmul %slice3A_216, %slice3A_232, %dot_general3A_233 {dimension_numbers = #tpu.dot_dimension_numbers<[1], [1], [0], [0], [0, 0, 1, 0], [], []>, transpose_lhs_hint = false} : vector<780x64xbf16>, vector<780x64xbf16>, vector<780x780xf32> -> vector<780x780xf32>
    %exp3A_235 = math.exp %dot_general3A_234 : vector<780x780xf32>
    %convert_element_type3A_236 = arith.truncf %exp3A_235 : vector<780x780xf32> to vector<780x780xbf16>
    %get3A_237 = arith.constant 0 : index
    %get3A_238 = arith.constant 0 : index
    %get3A_239 = arith.constant 0 : index
    %get3A_240 = vector.load %arg6[%get3A_237, %get3A_238, %get3A_239] : memref<1x780x384xbf16, #tpu.memory_space<vmem>>, vector<1x780x384xbf16>
    %get3A_241 = vector.shape_cast %get3A_240 : vector<1x780x384xbf16> to vector<780x384xbf16>
    %slice3A_242 = vector.extract_strided_slice %get3A_241 {offsets = [0, 128], sizes = [780, 64], strides = [1, 1]} : vector<780x384xbf16> to vector<780x64xbf16>
    %dot_general3A_243 = arith.constant dense<0.000000e+00> : vector<780x780xf32>
    %dot_general3A_244 = tpu.matmul %slice3A_216, %slice3A_242, %dot_general3A_243 {dimension_numbers = #tpu.dot_dimension_numbers<[1], [1], [0], [0], [0, 0, 1, 0], [], []>, transpose_lhs_hint = false} : vector<780x64xbf16>, vector<780x64xbf16>, vector<780x780xf32> -> vector<780x780xf32>
    %exp3A_245 = math.exp %dot_general3A_244 : vector<780x780xf32>
    %convert_element_type3A_246 = arith.truncf %exp3A_245 : vector<780x780xf32> to vector<780x780xbf16>
    %get3A_247 = arith.constant 0 : index
    %get3A_248 = arith.constant 0 : index
    %get3A_249 = arith.constant 0 : index
    %get3A_250 = vector.load %arg7[%get3A_247, %get3A_248, %get3A_249] : memref<1x780x384xbf16, #tpu.memory_space<vmem>>, vector<1x780x384xbf16>
    %get3A_251 = vector.shape_cast %get3A_250 : vector<1x780x384xbf16> to vector<780x384xbf16>
    %slice3A_252 = vector.extract_strided_slice %get3A_251 {offsets = [0, 128], sizes = [780, 64], strides = [1, 1]} : vector<780x384xbf16> to vector<780x64xbf16>
    %dot_general3A_253 = arith.constant dense<0.000000e+00> : vector<780x780xf32>
    %dot_general3A_254 = tpu.matmul %slice3A_216, %slice3A_252, %dot_general3A_253 {dimension_numbers = #tpu.dot_dimension_numbers<[1], [1], [0], [0], [0, 0, 1, 0], [], []>, transpose_lhs_hint = false} : vector<780x64xbf16>, vector<780x64xbf16>, vector<780x780xf32> -> vector<780x780xf32>
    %exp3A_255 = math.exp %dot_general3A_254 : vector<780x780xf32>
    %convert_element_type3A_256 = arith.truncf %exp3A_255 : vector<780x780xf32> to vector<780x780xbf16>
    %convert_element_type3A_257 = arith.extf %convert_element_type3A_226 : vector<780x780xbf16> to vector<780x780xf32>
    %reduce_sum3A_258 = arith.constant dense<0.000000e+00> : vector<780xf32>
    %reduce_sum3A_259 = vector.multi_reduction <add>, %convert_element_type3A_257, %reduce_sum3A_258 [1] : vector<780x780xf32> to vector<780xf32>
    %broadcast_in_dim3A_260 = vector.shape_cast %reduce_sum3A_259 : vector<780xf32> to vector<780x1xf32>
    %convert_element_type3A_261 = arith.extf %convert_element_type3A_236 : vector<780x780xbf16> to vector<780x780xf32>
    %reduce_sum3A_262 = arith.constant dense<0.000000e+00> : vector<780xf32>
    %reduce_sum3A_263 = vector.multi_reduction <add>, %convert_element_type3A_261, %reduce_sum3A_262 [1] : vector<780x780xf32> to vector<780xf32>
    %broadcast_in_dim3A_264 = vector.shape_cast %reduce_sum3A_263 : vector<780xf32> to vector<780x1xf32>
    %add3A_265 = arith.addf %broadcast_in_dim3A_260, %broadcast_in_dim3A_264 : vector<780x1xf32>
    %convert_element_type3A_266 = arith.extf %convert_element_type3A_246 : vector<780x780xbf16> to vector<780x780xf32>
    %reduce_sum3A_267 = arith.constant dense<0.000000e+00> : vector<780xf32>
    %reduce_sum3A_268 = vector.multi_reduction <add>, %convert_element_type3A_266, %reduce_sum3A_267 [1] : vector<780x780xf32> to vector<780xf32>
    %broadcast_in_dim3A_269 = vector.shape_cast %reduce_sum3A_268 : vector<780xf32> to vector<780x1xf32>
    %add3A_270 = arith.addf %add3A_265, %broadcast_in_dim3A_269 : vector<780x1xf32>
    %convert_element_type3A_271 = arith.extf %convert_element_type3A_256 : vector<780x780xbf16> to vector<780x780xf32>
    %reduce_sum3A_272 = arith.constant dense<0.000000e+00> : vector<780xf32>
    %reduce_sum3A_273 = vector.multi_reduction <add>, %convert_element_type3A_271, %reduce_sum3A_272 [1] : vector<780x780xf32> to vector<780xf32>
    %broadcast_in_dim3A_274 = vector.shape_cast %reduce_sum3A_273 : vector<780xf32> to vector<780x1xf32>
    %add3A_275 = arith.addf %add3A_270, %broadcast_in_dim3A_274 : vector<780x1xf32>
    %get3A_276 = arith.constant 0 : index
    %get3A_277 = arith.constant 0 : index
    %get3A_278 = arith.constant 0 : index
    %get3A_279 = vector.load %arg8[%get3A_276, %get3A_277, %get3A_278] : memref<1x780x384xbf16, #tpu.memory_space<vmem>>, vector<1x780x384xbf16>
    %get3A_280 = vector.shape_cast %get3A_279 : vector<1x780x384xbf16> to vector<780x384xbf16>
    %slice3A_281 = vector.extract_strided_slice %get3A_280 {offsets = [0, 128], sizes = [780, 64], strides = [1, 1]} : vector<780x384xbf16> to vector<780x64xbf16>
    %dot_general3A_282 = arith.constant dense<0.000000e+00> : vector<780x64xf32>
    %dot_general3A_283 = tpu.matmul %convert_element_type3A_226, %slice3A_281, %dot_general3A_282 {dimension_numbers = #tpu.dot_dimension_numbers<[1], [0], [0], [1], [0, 0, 1, 1], [], []>, transpose_lhs_hint = false} : vector<780x780xbf16>, vector<780x64xbf16>, vector<780x64xf32> -> vector<780x64xf32>
    %get3A_284 = arith.constant 0 : index
    %get3A_285 = arith.constant 0 : index
    %get3A_286 = arith.constant 0 : index
    %get3A_287 = vector.load %arg9[%get3A_284, %get3A_285, %get3A_286] : memref<1x780x384xbf16, #tpu.memory_space<vmem>>, vector<1x780x384xbf16>
    %get3A_288 = vector.shape_cast %get3A_287 : vector<1x780x384xbf16> to vector<780x384xbf16>
    %slice3A_289 = vector.extract_strided_slice %get3A_288 {offsets = [0, 128], sizes = [780, 64], strides = [1, 1]} : vector<780x384xbf16> to vector<780x64xbf16>
    %dot_general3A_290 = arith.constant dense<0.000000e+00> : vector<780x64xf32>
    %dot_general3A_291 = tpu.matmul %convert_element_type3A_236, %slice3A_289, %dot_general3A_290 {dimension_numbers = #tpu.dot_dimension_numbers<[1], [0], [0], [1], [0, 0, 1, 1], [], []>, transpose_lhs_hint = false} : vector<780x780xbf16>, vector<780x64xbf16>, vector<780x64xf32> -> vector<780x64xf32>
    %add3A_292 = arith.addf %dot_general3A_283, %dot_general3A_291 : vector<780x64xf32>
    %get3A_293 = arith.constant 0 : index
    %get3A_294 = arith.constant 0 : index
    %get3A_295 = arith.constant 0 : index
    %get3A_296 = vector.load %arg10[%get3A_293, %get3A_294, %get3A_295] : memref<1x780x384xbf16, #tpu.memory_space<vmem>>, vector<1x780x384xbf16>
    %get3A_297 = vector.shape_cast %get3A_296 : vector<1x780x384xbf16> to vector<780x384xbf16>
    %slice3A_298 = vector.extract_strided_slice %get3A_297 {offsets = [0, 128], sizes = [780, 64], strides = [1, 1]} : vector<780x384xbf16> to vector<780x64xbf16>
    %dot_general3A_299 = arith.constant dense<0.000000e+00> : vector<780x64xf32>
    %dot_general3A_300 = tpu.matmul %convert_element_type3A_246, %slice3A_298, %dot_general3A_299 {dimension_numbers = #tpu.dot_dimension_numbers<[1], [0], [0], [1], [0, 0, 1, 1], [], []>, transpose_lhs_hint = false} : vector<780x780xbf16>, vector<780x64xbf16>, vector<780x64xf32> -> vector<780x64xf32>
    %add3A_301 = arith.addf %add3A_292, %dot_general3A_300 : vector<780x64xf32>
    %get3A_302 = arith.constant 0 : index
    %get3A_303 = arith.constant 0 : index
    %get3A_304 = arith.constant 0 : index
    %get3A_305 = vector.load %arg11[%get3A_302, %get3A_303, %get3A_304] : memref<1x780x384xbf16, #tpu.memory_space<vmem>>, vector<1x780x384xbf16>
    %get3A_306 = vector.shape_cast %get3A_305 : vector<1x780x384xbf16> to vector<780x384xbf16>
    %slice3A_307 = vector.extract_strided_slice %get3A_306 {offsets = [0, 128], sizes = [780, 64], strides = [1, 1]} : vector<780x384xbf16> to vector<780x64xbf16>
    %dot_general3A_308 = arith.constant dense<0.000000e+00> : vector<780x64xf32>
    %dot_general3A_309 = tpu.matmul %convert_element_type3A_256, %slice3A_307, %dot_general3A_308 {dimension_numbers = #tpu.dot_dimension_numbers<[1], [0], [0], [1], [0, 0, 1, 1], [], []>, transpose_lhs_hint = false} : vector<780x780xbf16>, vector<780x64xbf16>, vector<780x64xf32> -> vector<780x64xf32>
    %add3A_310 = arith.addf %add3A_301, %dot_general3A_309 : vector<780x64xf32>
    %div3A_311 = arith.constant 1.000000e+00 : f32
    %div3A_312 = vector.broadcast %div3A_311 : f32 to vector<780x1xf32>
    %div3A_313 = arith.divf %div3A_312, %add3A_275 : vector<780x1xf32>
    %mul3A_314 = vector.broadcast %div3A_313 : vector<780x1xf32> to vector<780x64xf32>
    %mul3A_315 = arith.mulf %add3A_310, %mul3A_314 : vector<780x64xf32>
    %swap3A_316 = arith.constant 0 : index
    %swap3A_317 = arith.constant 0 : index
    %swap3A_318 = arith.constant 128 : index
    %swap3A_319 = vector.load %arg12[%swap3A_316, %swap3A_317, %swap3A_318] : memref<1x780x384xf32, #tpu.memory_space<vmem>>, vector<1x780x64xf32>
    %swap3A_320 = vector.shape_cast %swap3A_319 : vector<1x780x64xf32> to vector<780x64xf32>
    %swap3A_321 = vector.shape_cast %mul3A_315 : vector<780x64xf32> to vector<1x780x64xf32>
    tpu.vector_store %arg12[%swap3A_316, %swap3A_317, %swap3A_318], %swap3A_321 {strides = array<i32>} : memref<1x780x384xf32, #tpu.memory_space<vmem>>, vector<1x780x64xf32>,
    %get3A_322 = arith.constant 0 : index
    %get3A_323 = arith.constant 0 : index
    %get3A_324 = arith.constant 0 : index
    %get3A_325 = vector.load %arg3[%get3A_322, %get3A_323, %get3A_324] : memref<1x780x384xbf16, #tpu.memory_space<vmem>>, vector<1x780x384xbf16>
    %get3A_326 = vector.shape_cast %get3A_325 : vector<1x780x384xbf16> to vector<780x384xbf16>
    %slice3A_327 = vector.extract_strided_slice %get3A_326 {offsets = [0, 192], sizes = [780, 64], strides = [1, 1]} : vector<780x384xbf16> to vector<780x64xbf16>
    %get3A_328 = arith.constant 0 : index
    %get3A_329 = arith.constant 0 : index
    %get3A_330 = arith.constant 0 : index
    %get3A_331 = vector.load %arg4[%get3A_328, %get3A_329, %get3A_330] : memref<1x780x384xbf16, #tpu.memory_space<vmem>>, vector<1x780x384xbf16>
    %get3A_332 = vector.shape_cast %get3A_331 : vector<1x780x384xbf16> to vector<780x384xbf16>
    %slice3A_333 = vector.extract_strided_slice %get3A_332 {offsets = [0, 192], sizes = [780, 64], strides = [1, 1]} : vector<780x384xbf16> to vector<780x64xbf16>
    %dot_general3A_334 = arith.constant dense<0.000000e+00> : vector<780x780xf32>
    %dot_general3A_335 = tpu.matmul %slice3A_327, %slice3A_333, %dot_general3A_334 {dimension_numbers = #tpu.dot_dimension_numbers<[1], [1], [0], [0], [0, 0, 1, 0], [], []>, transpose_lhs_hint = false} : vector<780x64xbf16>, vector<780x64xbf16>, vector<780x780xf32> -> vector<780x780xf32>
    %exp3A_336 = math.exp %dot_general3A_335 : vector<780x780xf32>
    %convert_element_type3A_337 = arith.truncf %exp3A_336 : vector<780x780xf32> to vector<780x780xbf16>
    %get3A_338 = arith.constant 0 : index
    %get3A_339 = arith.constant 0 : index
    %get3A_340 = arith.constant 0 : index
    %get3A_341 = vector.load %arg5[%get3A_338, %get3A_339, %get3A_340] : memref<1x780x384xbf16, #tpu.memory_space<vmem>>, vector<1x780x384xbf16>
    %get3A_342 = vector.shape_cast %get3A_341 : vector<1x780x384xbf16> to vector<780x384xbf16>
    %slice3A_343 = vector.extract_strided_slice %get3A_342 {offsets = [0, 192], sizes = [780, 64], strides = [1, 1]} : vector<780x384xbf16> to vector<780x64xbf16>
    %dot_general3A_344 = arith.constant dense<0.000000e+00> : vector<780x780xf32>
    %dot_general3A_345 = tpu.matmul %slice3A_327, %slice3A_343, %dot_general3A_344 {dimension_numbers = #tpu.dot_dimension_numbers<[1], [1], [0], [0], [0, 0, 1, 0], [], []>, transpose_lhs_hint = false} : vector<780x64xbf16>, vector<780x64xbf16>, vector<780x780xf32> -> vector<780x780xf32>
    %exp3A_346 = math.exp %dot_general3A_345 : vector<780x780xf32>
    %convert_element_type3A_347 = arith.truncf %exp3A_346 : vector<780x780xf32> to vector<780x780xbf16>
    %get3A_348 = arith.constant 0 : index
    %get3A_349 = arith.constant 0 : index
    %get3A_350 = arith.constant 0 : index
    %get3A_351 = vector.load %arg6[%get3A_348, %get3A_349, %get3A_350] : memref<1x780x384xbf16, #tpu.memory_space<vmem>>, vector<1x780x384xbf16>
    %get3A_352 = vector.shape_cast %get3A_351 : vector<1x780x384xbf16> to vector<780x384xbf16>
    %slice3A_353 = vector.extract_strided_slice %get3A_352 {offsets = [0, 192], sizes = [780, 64], strides = [1, 1]} : vector<780x384xbf16> to vector<780x64xbf16>
    %dot_general3A_354 = arith.constant dense<0.000000e+00> : vector<780x780xf32>
    %dot_general3A_355 = tpu.matmul %slice3A_327, %slice3A_353, %dot_general3A_354 {dimension_numbers = #tpu.dot_dimension_numbers<[1], [1], [0], [0], [0, 0, 1, 0], [], []>, transpose_lhs_hint = false} : vector<780x64xbf16>, vector<780x64xbf16>, vector<780x780xf32> -> vector<780x780xf32>
    %exp3A_356 = math.exp %dot_general3A_355 : vector<780x780xf32>
    %convert_element_type3A_357 = arith.truncf %exp3A_356 : vector<780x780xf32> to vector<780x780xbf16>
    %get3A_358 = arith.constant 0 : index
    %get3A_359 = arith.constant 0 : index
    %get3A_360 = arith.constant 0 : index
    %get3A_361 = vector.load %arg7[%get3A_358, %get3A_359, %get3A_360] : memref<1x780x384xbf16, #tpu.memory_space<vmem>>, vector<1x780x384xbf16>
    %get3A_362 = vector.shape_cast %get3A_361 : vector<1x780x384xbf16> to vector<780x384xbf16>
    %slice3A_363 = vector.extract_strided_slice %get3A_362 {offsets = [0, 192], sizes = [780, 64], strides = [1, 1]} : vector<780x384xbf16> to vector<780x64xbf16>
    %dot_general3A_364 = arith.constant dense<0.000000e+00> : vector<780x780xf32>
    %dot_general3A_365 = tpu.matmul %slice3A_327, %slice3A_363, %dot_general3A_364 {dimension_numbers = #tpu.dot_dimension_numbers<[1], [1], [0], [0], [0, 0, 1, 0], [], []>, transpose_lhs_hint = false} : vector<780x64xbf16>, vector<780x64xbf16>, vector<780x780xf32> -> vector<780x780xf32>
    %exp3A_366 = math.exp %dot_general3A_365 : vector<780x780xf32>
    %convert_element_type3A_367 = arith.truncf %exp3A_366 : vector<780x780xf32> to vector<780x780xbf16>
    %convert_element_type3A_368 = arith.extf %convert_element_type3A_337 : vector<780x780xbf16> to vector<780x780xf32>
    %reduce_sum3A_369 = arith.constant dense<0.000000e+00> : vector<780xf32>
    %reduce_sum3A_370 = vector.multi_reduction <add>, %convert_element_type3A_368, %reduce_sum3A_369 [1] : vector<780x780xf32> to vector<780xf32>
    %broadcast_in_dim3A_371 = vector.shape_cast %reduce_sum3A_370 : vector<780xf32> to vector<780x1xf32>
    %convert_element_type3A_372 = arith.extf %convert_element_type3A_347 : vector<780x780xbf16> to vector<780x780xf32>
    %reduce_sum3A_373 = arith.constant dense<0.000000e+00> : vector<780xf32>
    %reduce_sum3A_374 = vector.multi_reduction <add>, %convert_element_type3A_372, %reduce_sum3A_373 [1] : vector<780x780xf32> to vector<780xf32>
    %broadcast_in_dim3A_375 = vector.shape_cast %reduce_sum3A_374 : vector<780xf32> to vector<780x1xf32>
    %add3A_376 = arith.addf %broadcast_in_dim3A_371, %broadcast_in_dim3A_375 : vector<780x1xf32>
    %convert_element_type3A_377 = arith.extf %convert_element_type3A_357 : vector<780x780xbf16> to vector<780x780xf32>
    %reduce_sum3A_378 = arith.constant dense<0.000000e+00> : vector<780xf32>
    %reduce_sum3A_379 = vector.multi_reduction <add>, %convert_element_type3A_377, %reduce_sum3A_378 [1] : vector<780x780xf32> to vector<780xf32>
    %broadcast_in_dim3A_380 = vector.shape_cast %reduce_sum3A_379 : vector<780xf32> to vector<780x1xf32>
    %add3A_381 = arith.addf %add3A_376, %broadcast_in_dim3A_380 : vector<780x1xf32>
    %convert_element_type3A_382 = arith.extf %convert_element_type3A_367 : vector<780x780xbf16> to vector<780x780xf32>
    %reduce_sum3A_383 = arith.constant dense<0.000000e+00> : vector<780xf32>
    %reduce_sum3A_384 = vector.multi_reduction <add>, %convert_element_type3A_382, %reduce_sum3A_383 [1] : vector<780x780xf32> to vector<780xf32>
    %broadcast_in_dim3A_385 = vector.shape_cast %reduce_sum3A_384 : vector<780xf32> to vector<780x1xf32>
    %add3A_386 = arith.addf %add3A_381, %broadcast_in_dim3A_385 : vector<780x1xf32>
    %get3A_387 = arith.constant 0 : index
    %get3A_388 = arith.constant 0 : index
    %get3A_389 = arith.constant 0 : index
    %get3A_390 = vector.load %arg8[%get3A_387, %get3A_388, %get3A_389] : memref<1x780x384xbf16, #tpu.memory_space<vmem>>, vector<1x780x384xbf16>
    %get3A_391 = vector.shape_cast %get3A_390 : vector<1x780x384xbf16> to vector<780x384xbf16>
    %slice3A_392 = vector.extract_strided_slice %get3A_391 {offsets = [0, 192], sizes = [780, 64], strides = [1, 1]} : vector<780x384xbf16> to vector<780x64xbf16>
    %dot_general3A_393 = arith.constant dense<0.000000e+00> : vector<780x64xf32>
    %dot_general3A_394 = tpu.matmul %convert_element_type3A_337, %slice3A_392, %dot_general3A_393 {dimension_numbers = #tpu.dot_dimension_numbers<[1], [0], [0], [1], [0, 0, 1, 1], [], []>, transpose_lhs_hint = false} : vector<780x780xbf16>, vector<780x64xbf16>, vector<780x64xf32> -> vector<780x64xf32>
    %get3A_395 = arith.constant 0 : index
    %get3A_396 = arith.constant 0 : index
    %get3A_397 = arith.constant 0 : index
    %get3A_398 = vector.load %arg9[%get3A_395, %get3A_396, %get3A_397] : memref<1x780x384xbf16, #tpu.memory_space<vmem>>, vector<1x780x384xbf16>
    %get3A_399 = vector.shape_cast %get3A_398 : vector<1x780x384xbf16> to vector<780x384xbf16>
    %slice3A_400 = vector.extract_strided_slice %get3A_399 {offsets = [0, 192], sizes = [780, 64], strides = [1, 1]} : vector<780x384xbf16> to vector<780x64xbf16>
    %dot_general3A_401 = arith.constant dense<0.000000e+00> : vector<780x64xf32>
    %dot_general3A_402 = tpu.matmul %convert_element_type3A_347, %slice3A_400, %dot_general3A_401 {dimension_numbers = #tpu.dot_dimension_numbers<[1], [0], [0], [1], [0, 0, 1, 1], [], []>, transpose_lhs_hint = false} : vector<780x780xbf16>, vector<780x64xbf16>, vector<780x64xf32> -> vector<780x64xf32>
    %add3A_403 = arith.addf %dot_general3A_394, %dot_general3A_402 : vector<780x64xf32>
    %get3A_404 = arith.constant 0 : index
    %get3A_405 = arith.constant 0 : index
    %get3A_406 = arith.constant 0 : index
    %get3A_407 = vector.load %arg10[%get3A_404, %get3A_405, %get3A_406] : memref<1x780x384xbf16, #tpu.memory_space<vmem>>, vector<1x780x384xbf16>
    %get3A_408 = vector.shape_cast %get3A_407 : vector<1x780x384xbf16> to vector<780x384xbf16>
    %slice3A_409 = vector.extract_strided_slice %get3A_408 {offsets = [0, 192], sizes = [780, 64], strides = [1, 1]} : vector<780x384xbf16> to vector<780x64xbf16>
    %dot_general3A_410 = arith.constant dense<0.000000e+00> : vector<780x64xf32>
    %dot_general3A_411 = tpu.matmul %convert_element_type3A_357, %slice3A_409, %dot_general3A_410 {dimension_numbers = #tpu.dot_dimension_numbers<[1], [0], [0], [1], [0, 0, 1, 1], [], []>, transpose_lhs_hint = false} : vector<780x780xbf16>, vector<780x64xbf16>, vector<780x64xf32> -> vector<780x64xf32>
    %add3A_412 = arith.addf %add3A_403, %dot_general3A_411 : vector<780x64xf32>
    %get3A_413 = arith.constant 0 : index
    %get3A_414 = arith.constant 0 : index
    %get3A_415 = arith.constant 0 : index
    %get3A_416 = vector.load %arg11[%get3A_413, %get3A_414, %get3A_415] : memref<1x780x384xbf16, #tpu.memory_space<vmem>>, vector<1x780x384xbf16>
    %get3A_417 = vector.shape_cast %get3A_416 : vector<1x780x384xbf16> to vector<780x384xbf16>
    %slice3A_418 = vector.extract_strided_slice %get3A_417 {offsets = [0, 192], sizes = [780, 64], strides = [1, 1]} : vector<780x384xbf16> to vector<780x64xbf16>
    %dot_general3A_419 = arith.constant dense<0.000000e+00> : vector<780x64xf32>
    %dot_general3A_420 = tpu.matmul %convert_element_type3A_367, %slice3A_418, %dot_general3A_419 {dimension_numbers = #tpu.dot_dimension_numbers<[1], [0], [0], [1], [0, 0, 1, 1], [], []>, transpose_lhs_hint = false} : vector<780x780xbf16>, vector<780x64xbf16>, vector<780x64xf32> -> vector<780x64xf32>
    %add3A_421 = arith.addf %add3A_412, %dot_general3A_420 : vector<780x64xf32>
    %div3A_422 = arith.constant 1.000000e+00 : f32
    %div3A_423 = vector.broadcast %div3A_422 : f32 to vector<780x1xf32>
    %div3A_424 = arith.divf %div3A_423, %add3A_386 : vector<780x1xf32>
    %mul3A_425 = vector.broadcast %div3A_424 : vector<780x1xf32> to vector<780x64xf32>
    %mul3A_426 = arith.mulf %add3A_421, %mul3A_425 : vector<780x64xf32>
    %swap3A_427 = arith.constant 0 : index
    %swap3A_428 = arith.constant 0 : index
    %swap3A_429 = arith.constant 192 : index
    %swap3A_430 = vector.load %arg12[%swap3A_427, %swap3A_428, %swap3A_429] : memref<1x780x384xf32, #tpu.memory_space<vmem>>, vector<1x780x64xf32>
    %swap3A_431 = vector.shape_cast %swap3A_430 : vector<1x780x64xf32> to vector<780x64xf32>
    %swap3A_432 = vector.shape_cast %mul3A_426 : vector<780x64xf32> to vector<1x780x64xf32>
    tpu.vector_store %arg12[%swap3A_427, %swap3A_428, %swap3A_429], %swap3A_432 {strides = array<i32>} : memref<1x780x384xf32, #tpu.memory_space<vmem>>, vector<1x780x64xf32>,
    %get3A_433 = arith.constant 0 : index
    %get3A_434 = arith.constant 0 : index
    %get3A_435 = arith.constant 0 : index
    %get3A_436 = vector.load %arg3[%get3A_433, %get3A_434, %get3A_435] : memref<1x780x384xbf16, #tpu.memory_space<vmem>>, vector<1x780x384xbf16>
    %get3A_437 = vector.shape_cast %get3A_436 : vector<1x780x384xbf16> to vector<780x384xbf16>
    %slice3A_438 = vector.extract_strided_slice %get3A_437 {offsets = [0, 256], sizes = [780, 64], strides = [1, 1]} : vector<780x384xbf16> to vector<780x64xbf16>
    %get3A_439 = arith.constant 0 : index
    %get3A_440 = arith.constant 0 : index
    %get3A_441 = arith.constant 0 : index
    %get3A_442 = vector.load %arg4[%get3A_439, %get3A_440, %get3A_441] : memref<1x780x384xbf16, #tpu.memory_space<vmem>>, vector<1x780x384xbf16>
    %get3A_443 = vector.shape_cast %get3A_442 : vector<1x780x384xbf16> to vector<780x384xbf16>
    %slice3A_444 = vector.extract_strided_slice %get3A_443 {offsets = [0, 256], sizes = [780, 64], strides = [1, 1]} : vector<780x384xbf16> to vector<780x64xbf16>
    %dot_general3A_445 = arith.constant dense<0.000000e+00> : vector<780x780xf32>
    %dot_general3A_446 = tpu.matmul %slice3A_438, %slice3A_444, %dot_general3A_445 {dimension_numbers = #tpu.dot_dimension_numbers<[1], [1], [0], [0], [0, 0, 1, 0], [], []>, transpose_lhs_hint = false} : vector<780x64xbf16>, vector<780x64xbf16>, vector<780x780xf32> -> vector<780x780xf32>
    %exp3A_447 = math.exp %dot_general3A_446 : vector<780x780xf32>
    %convert_element_type3A_448 = arith.truncf %exp3A_447 : vector<780x780xf32> to vector<780x780xbf16>
    %get3A_449 = arith.constant 0 : index
    %get3A_450 = arith.constant 0 : index
    %get3A_451 = arith.constant 0 : index
    %get3A_452 = vector.load %arg5[%get3A_449, %get3A_450, %get3A_451] : memref<1x780x384xbf16, #tpu.memory_space<vmem>>, vector<1x780x384xbf16>
    %get3A_453 = vector.shape_cast %get3A_452 : vector<1x780x384xbf16> to vector<780x384xbf16>
    %slice3A_454 = vector.extract_strided_slice %get3A_453 {offsets = [0, 256], sizes = [780, 64], strides = [1, 1]} : vector<780x384xbf16> to vector<780x64xbf16>
    %dot_general3A_455 = arith.constant dense<0.000000e+00> : vector<780x780xf32>
    %dot_general3A_456 = tpu.matmul %slice3A_438, %slice3A_454, %dot_general3A_455 {dimension_numbers = #tpu.dot_dimension_numbers<[1], [1], [0], [0], [0, 0, 1, 0], [], []>, transpose_lhs_hint = false} : vector<780x64xbf16>, vector<780x64xbf16>, vector<780x780xf32> -> vector<780x780xf32>
    %exp3A_457 = math.exp %dot_general3A_456 : vector<780x780xf32>
    %convert_element_type3A_458 = arith.truncf %exp3A_457 : vector<780x780xf32> to vector<780x780xbf16>
    %get3A_459 = arith.constant 0 : index
    %get3A_460 = arith.constant 0 : index
    %get3A_461 = arith.constant 0 : index
    %get3A_462 = vector.load %arg6[%get3A_459, %get3A_460, %get3A_461] : memref<1x780x384xbf16, #tpu.memory_space<vmem>>, vector<1x780x384xbf16>
    %get3A_463 = vector.shape_cast %get3A_462 : vector<1x780x384xbf16> to vector<780x384xbf16>
    %slice3A_464 = vector.extract_strided_slice %get3A_463 {offsets = [0, 256], sizes = [780, 64], strides = [1, 1]} : vector<780x384xbf16> to vector<780x64xbf16>
    %dot_general3A_465 = arith.constant dense<0.000000e+00> : vector<780x780xf32>
    %dot_general3A_466 = tpu.matmul %slice3A_438, %slice3A_464, %dot_general3A_465 {dimension_numbers = #tpu.dot_dimension_numbers<[1], [1], [0], [0], [0, 0, 1, 0], [], []>, transpose_lhs_hint = false} : vector<780x64xbf16>, vector<780x64xbf16>, vector<780x780xf32> -> vector<780x780xf32>
    %exp3A_467 = math.exp %dot_general3A_466 : vector<780x780xf32>
    %convert_element_type3A_468 = arith.truncf %exp3A_467 : vector<780x780xf32> to vector<780x780xbf16>
    %get3A_469 = arith.constant 0 : index
    %get3A_470 = arith.constant 0 : index
    %get3A_471 = arith.constant 0 : index
    %get3A_472 = vector.load %arg7[%get3A_469, %get3A_470, %get3A_471] : memref<1x780x384xbf16, #tpu.memory_space<vmem>>, vector<1x780x384xbf16>
    %get3A_473 = vector.shape_cast %get3A_472 : vector<1x780x384xbf16> to vector<780x384xbf16>
    %slice3A_474 = vector.extract_strided_slice %get3A_473 {offsets = [0, 256], sizes = [780, 64], strides = [1, 1]} : vector<780x384xbf16> to vector<780x64xbf16>
    %dot_general3A_475 = arith.constant dense<0.000000e+00> : vector<780x780xf32>
    %dot_general3A_476 = tpu.matmul %slice3A_438, %slice3A_474, %dot_general3A_475 {dimension_numbers = #tpu.dot_dimension_numbers<[1], [1], [0], [0], [0, 0, 1, 0], [], []>, transpose_lhs_hint = false} : vector<780x64xbf16>, vector<780x64xbf16>, vector<780x780xf32> -> vector<780x780xf32>
    %exp3A_477 = math.exp %dot_general3A_476 : vector<780x780xf32>
    %convert_element_type3A_478 = arith.truncf %exp3A_477 : vector<780x780xf32> to vector<780x780xbf16>
    %convert_element_type3A_479 = arith.extf %convert_element_type3A_448 : vector<780x780xbf16> to vector<780x780xf32>
    %reduce_sum3A_480 = arith.constant dense<0.000000e+00> : vector<780xf32>
    %reduce_sum3A_481 = vector.multi_reduction <add>, %convert_element_type3A_479, %reduce_sum3A_480 [1] : vector<780x780xf32> to vector<780xf32>
    %broadcast_in_dim3A_482 = vector.shape_cast %reduce_sum3A_481 : vector<780xf32> to vector<780x1xf32>
    %convert_element_type3A_483 = arith.extf %convert_element_type3A_458 : vector<780x780xbf16> to vector<780x780xf32>
    %reduce_sum3A_484 = arith.constant dense<0.000000e+00> : vector<780xf32>
    %reduce_sum3A_485 = vector.multi_reduction <add>, %convert_element_type3A_483, %reduce_sum3A_484 [1] : vector<780x780xf32> to vector<780xf32>
    %broadcast_in_dim3A_486 = vector.shape_cast %reduce_sum3A_485 : vector<780xf32> to vector<780x1xf32>
    %add3A_487 = arith.addf %broadcast_in_dim3A_482, %broadcast_in_dim3A_486 : vector<780x1xf32>
    %convert_element_type3A_488 = arith.extf %convert_element_type3A_468 : vector<780x780xbf16> to vector<780x780xf32>
    %reduce_sum3A_489 = arith.constant dense<0.000000e+00> : vector<780xf32>
    %reduce_sum3A_490 = vector.multi_reduction <add>, %convert_element_type3A_488, %reduce_sum3A_489 [1] : vector<780x780xf32> to vector<780xf32>
    %broadcast_in_dim3A_491 = vector.shape_cast %reduce_sum3A_490 : vector<780xf32> to vector<780x1xf32>
    %add3A_492 = arith.addf %add3A_487, %broadcast_in_dim3A_491 : vector<780x1xf32>
    %convert_element_type3A_493 = arith.extf %convert_element_type3A_478 : vector<780x780xbf16> to vector<780x780xf32>
    %reduce_sum3A_494 = arith.constant dense<0.000000e+00> : vector<780xf32>
    %reduce_sum3A_495 = vector.multi_reduction <add>, %convert_element_type3A_493, %reduce_sum3A_494 [1] : vector<780x780xf32> to vector<780xf32>
    %broadcast_in_dim3A_496 = vector.shape_cast %reduce_sum3A_495 : vector<780xf32> to vector<780x1xf32>
    %add3A_497 = arith.addf %add3A_492, %broadcast_in_dim3A_496 : vector<780x1xf32>
    %get3A_498 = arith.constant 0 : index
    %get3A_499 = arith.constant 0 : index
    %get3A_500 = arith.constant 0 : index
    %get3A_501 = vector.load %arg8[%get3A_498, %get3A_499, %get3A_500] : memref<1x780x384xbf16, #tpu.memory_space<vmem>>, vector<1x780x384xbf16>
    %get3A_502 = vector.shape_cast %get3A_501 : vector<1x780x384xbf16> to vector<780x384xbf16>
    %slice3A_503 = vector.extract_strided_slice %get3A_502 {offsets = [0, 256], sizes = [780, 64], strides = [1, 1]} : vector<780x384xbf16> to vector<780x64xbf16>
    %dot_general3A_504 = arith.constant dense<0.000000e+00> : vector<780x64xf32>
    %dot_general3A_505 = tpu.matmul %convert_element_type3A_448, %slice3A_503, %dot_general3A_504 {dimension_numbers = #tpu.dot_dimension_numbers<[1], [0], [0], [1], [0, 0, 1, 1], [], []>, transpose_lhs_hint = false} : vector<780x780xbf16>, vector<780x64xbf16>, vector<780x64xf32> -> vector<780x64xf32>
    %get3A_506 = arith.constant 0 : index
    %get3A_507 = arith.constant 0 : index
    %get3A_508 = arith.constant 0 : index
    %get3A_509 = vector.load %arg9[%get3A_506, %get3A_507, %get3A_508] : memref<1x780x384xbf16, #tpu.memory_space<vmem>>, vector<1x780x384xbf16>
    %get3A_510 = vector.shape_cast %get3A_509 : vector<1x780x384xbf16> to vector<780x384xbf16>
    %slice3A_511 = vector.extract_strided_slice %get3A_510 {offsets = [0, 256], sizes = [780, 64], strides = [1, 1]} : vector<780x384xbf16> to vector<780x64xbf16>
    %dot_general3A_512 = arith.constant dense<0.000000e+00> : vector<780x64xf32>
    %dot_general3A_513 = tpu.matmul %convert_element_type3A_458, %slice3A_511, %dot_general3A_512 {dimension_numbers = #tpu.dot_dimension_numbers<[1], [0], [0], [1], [0, 0, 1, 1], [], []>, transpose_lhs_hint = false} : vector<780x780xbf16>, vector<780x64xbf16>, vector<780x64xf32> -> vector<780x64xf32>
    %add3A_514 = arith.addf %dot_general3A_505, %dot_general3A_513 : vector<780x64xf32>
    %get3A_515 = arith.constant 0 : index
    %get3A_516 = arith.constant 0 : index
    %get3A_517 = arith.constant 0 : index
    %get3A_518 = vector.load %arg10[%get3A_515, %get3A_516, %get3A_517] : memref<1x780x384xbf16, #tpu.memory_space<vmem>>, vector<1x780x384xbf16>
    %get3A_519 = vector.shape_cast %get3A_518 : vector<1x780x384xbf16> to vector<780x384xbf16>
    %slice3A_520 = vector.extract_strided_slice %get3A_519 {offsets = [0, 256], sizes = [780, 64], strides = [1, 1]} : vector<780x384xbf16> to vector<780x64xbf16>
    %dot_general3A_521 = arith.constant dense<0.000000e+00> : vector<780x64xf32>
    %dot_general3A_522 = tpu.matmul %convert_element_type3A_468, %slice3A_520, %dot_general3A_521 {dimension_numbers = #tpu.dot_dimension_numbers<[1], [0], [0], [1], [0, 0, 1, 1], [], []>, transpose_lhs_hint = false} : vector<780x780xbf16>, vector<780x64xbf16>, vector<780x64xf32> -> vector<780x64xf32>
    %add3A_523 = arith.addf %add3A_514, %dot_general3A_522 : vector<780x64xf32>
    %get3A_524 = arith.constant 0 : index
    %get3A_525 = arith.constant 0 : index
    %get3A_526 = arith.constant 0 : index
    %get3A_527 = vector.load %arg11[%get3A_524, %get3A_525, %get3A_526] : memref<1x780x384xbf16, #tpu.memory_space<vmem>>, vector<1x780x384xbf16>
    %get3A_528 = vector.shape_cast %get3A_527 : vector<1x780x384xbf16> to vector<780x384xbf16>
    %slice3A_529 = vector.extract_strided_slice %get3A_528 {offsets = [0, 256], sizes = [780, 64], strides = [1, 1]} : vector<780x384xbf16> to vector<780x64xbf16>
    %dot_general3A_530 = arith.constant dense<0.000000e+00> : vector<780x64xf32>
    %dot_general3A_531 = tpu.matmul %convert_element_type3A_478, %slice3A_529, %dot_general3A_530 {dimension_numbers = #tpu.dot_dimension_numbers<[1], [0], [0], [1], [0, 0, 1, 1], [], []>, transpose_lhs_hint = false} : vector<780x780xbf16>, vector<780x64xbf16>, vector<780x64xf32> -> vector<780x64xf32>
    %add3A_532 = arith.addf %add3A_523, %dot_general3A_531 : vector<780x64xf32>
    %div3A_533 = arith.constant 1.000000e+00 : f32
    %div3A_534 = vector.broadcast %div3A_533 : f32 to vector<780x1xf32>
    %div3A_535 = arith.divf %div3A_534, %add3A_497 : vector<780x1xf32>
    %mul3A_536 = vector.broadcast %div3A_535 : vector<780x1xf32> to vector<780x64xf32>
    %mul3A_537 = arith.mulf %add3A_532, %mul3A_536 : vector<780x64xf32>
    %swap3A_538 = arith.constant 0 : index
    %swap3A_539 = arith.constant 0 : index
    %swap3A_540 = arith.constant 256 : index
    %swap3A_541 = vector.load %arg12[%swap3A_538, %swap3A_539, %swap3A_540] : memref<1x780x384xf32, #tpu.memory_space<vmem>>, vector<1x780x64xf32>
    %swap3A_542 = vector.shape_cast %swap3A_541 : vector<1x780x64xf32> to vector<780x64xf32>
    %swap3A_543 = vector.shape_cast %mul3A_537 : vector<780x64xf32> to vector<1x780x64xf32>
    tpu.vector_store %arg12[%swap3A_538, %swap3A_539, %swap3A_540], %swap3A_543 {strides = array<i32>} : memref<1x780x384xf32, #tpu.memory_space<vmem>>, vector<1x780x64xf32>,
    %get3A_544 = arith.constant 0 : index
    %get3A_545 = arith.constant 0 : index
    %get3A_546 = arith.constant 0 : index
    %get3A_547 = vector.load %arg3[%get3A_544, %get3A_545, %get3A_546] : memref<1x780x384xbf16, #tpu.memory_space<vmem>>, vector<1x780x384xbf16>
    %get3A_548 = vector.shape_cast %get3A_547 : vector<1x780x384xbf16> to vector<780x384xbf16>
    %slice3A_549 = vector.extract_strided_slice %get3A_548 {offsets = [0, 320], sizes = [780, 64], strides = [1, 1]} : vector<780x384xbf16> to vector<780x64xbf16>
    %get3A_550 = arith.constant 0 : index
    %get3A_551 = arith.constant 0 : index
    %get3A_552 = arith.constant 0 : index
    %get3A_553 = vector.load %arg4[%get3A_550, %get3A_551, %get3A_552] : memref<1x780x384xbf16, #tpu.memory_space<vmem>>, vector<1x780x384xbf16>
    %get3A_554 = vector.shape_cast %get3A_553 : vector<1x780x384xbf16> to vector<780x384xbf16>
    %slice3A_555 = vector.extract_strided_slice %get3A_554 {offsets = [0, 320], sizes = [780, 64], strides = [1, 1]} : vector<780x384xbf16> to vector<780x64xbf16>
    %dot_general3A_556 = arith.constant dense<0.000000e+00> : vector<780x780xf32>
    %dot_general3A_557 = tpu.matmul %slice3A_549, %slice3A_555, %dot_general3A_556 {dimension_numbers = #tpu.dot_dimension_numbers<[1], [1], [0], [0], [0, 0, 1, 0], [], []>, transpose_lhs_hint = false} : vector<780x64xbf16>, vector<780x64xbf16>, vector<780x780xf32> -> vector<780x780xf32>
    %exp3A_558 = math.exp %dot_general3A_557 : vector<780x780xf32>
    %convert_element_type3A_559 = arith.truncf %exp3A_558 : vector<780x780xf32> to vector<780x780xbf16>
    %get3A_560 = arith.constant 0 : index
    %get3A_561 = arith.constant 0 : index
    %get3A_562 = arith.constant 0 : index
    %get3A_563 = vector.load %arg5[%get3A_560, %get3A_561, %get3A_562] : memref<1x780x384xbf16, #tpu.memory_space<vmem>>, vector<1x780x384xbf16>
    %get3A_564 = vector.shape_cast %get3A_563 : vector<1x780x384xbf16> to vector<780x384xbf16>
    %slice3A_565 = vector.extract_strided_slice %get3A_564 {offsets = [0, 320], sizes = [780, 64], strides = [1, 1]} : vector<780x384xbf16> to vector<780x64xbf16>
    %dot_general3A_566 = arith.constant dense<0.000000e+00> : vector<780x780xf32>
    %dot_general3A_567 = tpu.matmul %slice3A_549, %slice3A_565, %dot_general3A_566 {dimension_numbers = #tpu.dot_dimension_numbers<[1], [1], [0], [0], [0, 0, 1, 0], [], []>, transpose_lhs_hint = false} : vector<780x64xbf16>, vector<780x64xbf16>, vector<780x780xf32> -> vector<780x780xf32>
    %exp3A_568 = math.exp %dot_general3A_567 : vector<780x780xf32>
    %convert_element_type3A_569 = arith.truncf %exp3A_568 : vector<780x780xf32> to vector<780x780xbf16>
    %get3A_570 = arith.constant 0 : index
    %get3A_571 = arith.constant 0 : index
    %get3A_572 = arith.constant 0 : index
    %get3A_573 = vector.load %arg6[%get3A_570, %get3A_571, %get3A_572] : memref<1x780x384xbf16, #tpu.memory_space<vmem>>, vector<1x780x384xbf16>
    %get3A_574 = vector.shape_cast %get3A_573 : vector<1x780x384xbf16> to vector<780x384xbf16>
    %slice3A_575 = vector.extract_strided_slice %get3A_574 {offsets = [0, 320], sizes = [780, 64], strides = [1, 1]} : vector<780x384xbf16> to vector<780x64xbf16>
    %dot_general3A_576 = arith.constant dense<0.000000e+00> : vector<780x780xf32>
    %dot_general3A_577 = tpu.matmul %slice3A_549, %slice3A_575, %dot_general3A_576 {dimension_numbers = #tpu.dot_dimension_numbers<[1], [1], [0], [0], [0, 0, 1, 0], [], []>, transpose_lhs_hint = false} : vector<780x64xbf16>, vector<780x64xbf16>, vector<780x780xf32> -> vector<780x780xf32>
    %exp3A_578 = math.exp %dot_general3A_577 : vector<780x780xf32>
    %convert_element_type3A_579 = arith.truncf %exp3A_578 : vector<780x780xf32> to vector<780x780xbf16>
    %get3A_580 = arith.constant 0 : index
    %get3A_581 = arith.constant 0 : index
    %get3A_582 = arith.constant 0 : index
    %get3A_583 = vector.load %arg7[%get3A_580, %get3A_581, %get3A_582] : memref<1x780x384xbf16, #tpu.memory_space<vmem>>, vector<1x780x384xbf16>
    %get3A_584 = vector.shape_cast %get3A_583 : vector<1x780x384xbf16> to vector<780x384xbf16>
    %slice3A_585 = vector.extract_strided_slice %get3A_584 {offsets = [0, 320], sizes = [780, 64], strides = [1, 1]} : vector<780x384xbf16> to vector<780x64xbf16>
    %dot_general3A_586 = arith.constant dense<0.000000e+00> : vector<780x780xf32>
    %dot_general3A_587 = tpu.matmul %slice3A_549, %slice3A_585, %dot_general3A_586 {dimension_numbers = #tpu.dot_dimension_numbers<[1], [1], [0], [0], [0, 0, 1, 0], [], []>, transpose_lhs_hint = false} : vector<780x64xbf16>, vector<780x64xbf16>, vector<780x780xf32> -> vector<780x780xf32>
    %exp3A_588 = math.exp %dot_general3A_587 : vector<780x780xf32>
    %convert_element_type3A_589 = arith.truncf %exp3A_588 : vector<780x780xf32> to vector<780x780xbf16>
    %convert_element_type3A_590 = arith.extf %convert_element_type3A_559 : vector<780x780xbf16> to vector<780x780xf32>
    %reduce_sum3A_591 = arith.constant dense<0.000000e+00> : vector<780xf32>
    %reduce_sum3A_592 = vector.multi_reduction <add>, %convert_element_type3A_590, %reduce_sum3A_591 [1] : vector<780x780xf32> to vector<780xf32>
    %broadcast_in_dim3A_593 = vector.shape_cast %reduce_sum3A_592 : vector<780xf32> to vector<780x1xf32>
    %convert_element_type3A_594 = arith.extf %convert_element_type3A_569 : vector<780x780xbf16> to vector<780x780xf32>
    %reduce_sum3A_595 = arith.constant dense<0.000000e+00> : vector<780xf32>
    %reduce_sum3A_596 = vector.multi_reduction <add>, %convert_element_type3A_594, %reduce_sum3A_595 [1] : vector<780x780xf32> to vector<780xf32>
    %broadcast_in_dim3A_597 = vector.shape_cast %reduce_sum3A_596 : vector<780xf32> to vector<780x1xf32>
    %add3A_598 = arith.addf %broadcast_in_dim3A_593, %broadcast_in_dim3A_597 : vector<780x1xf32>
    %convert_element_type3A_599 = arith.extf %convert_element_type3A_579 : vector<780x780xbf16> to vector<780x780xf32>
    %reduce_sum3A_600 = arith.constant dense<0.000000e+00> : vector<780xf32>
    %reduce_sum3A_601 = vector.multi_reduction <add>, %convert_element_type3A_599, %reduce_sum3A_600 [1] : vector<780x780xf32> to vector<780xf32>
    %broadcast_in_dim3A_602 = vector.shape_cast %reduce_sum3A_601 : vector<780xf32> to vector<780x1xf32>
    %add3A_603 = arith.addf %add3A_598, %broadcast_in_dim3A_602 : vector<780x1xf32>
    %convert_element_type3A_604 = arith.extf %convert_element_type3A_589 : vector<780x780xbf16> to vector<780x780xf32>
    %reduce_sum3A_605 = arith.constant dense<0.000000e+00> : vector<780xf32>
    %reduce_sum3A_606 = vector.multi_reduction <add>, %convert_element_type3A_604, %reduce_sum3A_605 [1] : vector<780x780xf32> to vector<780xf32>
    %broadcast_in_dim3A_607 = vector.shape_cast %reduce_sum3A_606 : vector<780xf32> to vector<780x1xf32>
    %add3A_608 = arith.addf %add3A_603, %broadcast_in_dim3A_607 : vector<780x1xf32>
    %get3A_609 = arith.constant 0 : index
    %get3A_610 = arith.constant 0 : index
    %get3A_611 = arith.constant 0 : index
    %get3A_612 = vector.load %arg8[%get3A_609, %get3A_610, %get3A_611] : memref<1x780x384xbf16, #tpu.memory_space<vmem>>, vector<1x780x384xbf16>
    %get3A_613 = vector.shape_cast %get3A_612 : vector<1x780x384xbf16> to vector<780x384xbf16>
    %slice3A_614 = vector.extract_strided_slice %get3A_613 {offsets = [0, 320], sizes = [780, 64], strides = [1, 1]} : vector<780x384xbf16> to vector<780x64xbf16>
    %dot_general3A_615 = arith.constant dense<0.000000e+00> : vector<780x64xf32>
    %dot_general3A_616 = tpu.matmul %convert_element_type3A_559, %slice3A_614, %dot_general3A_615 {dimension_numbers = #tpu.dot_dimension_numbers<[1], [0], [0], [1], [0, 0, 1, 1], [], []>, transpose_lhs_hint = false} : vector<780x780xbf16>, vector<780x64xbf16>, vector<780x64xf32> -> vector<780x64xf32>
    %get3A_617 = arith.constant 0 : index
    %get3A_618 = arith.constant 0 : index
    %get3A_619 = arith.constant 0 : index
    %get3A_620 = vector.load %arg9[%get3A_617, %get3A_618, %get3A_619] : memref<1x780x384xbf16, #tpu.memory_space<vmem>>, vector<1x780x384xbf16>
    %get3A_621 = vector.shape_cast %get3A_620 : vector<1x780x384xbf16> to vector<780x384xbf16>
    %slice3A_622 = vector.extract_strided_slice %get3A_621 {offsets = [0, 320], sizes = [780, 64], strides = [1, 1]} : vector<780x384xbf16> to vector<780x64xbf16>
    %dot_general3A_623 = arith.constant dense<0.000000e+00> : vector<780x64xf32>
    %dot_general3A_624 = tpu.matmul %convert_element_type3A_569, %slice3A_622, %dot_general3A_623 {dimension_numbers = #tpu.dot_dimension_numbers<[1], [0], [0], [1], [0, 0, 1, 1], [], []>, transpose_lhs_hint = false} : vector<780x780xbf16>, vector<780x64xbf16>, vector<780x64xf32> -> vector<780x64xf32>
    %add3A_625 = arith.addf %dot_general3A_616, %dot_general3A_624 : vector<780x64xf32>
    %get3A_626 = arith.constant 0 : index
    %get3A_627 = arith.constant 0 : index
    %get3A_628 = arith.constant 0 : index
    %get3A_629 = vector.load %arg10[%get3A_626, %get3A_627, %get3A_628] : memref<1x780x384xbf16, #tpu.memory_space<vmem>>, vector<1x780x384xbf16>
    %get3A_630 = vector.shape_cast %get3A_629 : vector<1x780x384xbf16> to vector<780x384xbf16>
    %slice3A_631 = vector.extract_strided_slice %get3A_630 {offsets = [0, 320], sizes = [780, 64], strides = [1, 1]} : vector<780x384xbf16> to vector<780x64xbf16>
    %dot_general3A_632 = arith.constant dense<0.000000e+00> : vector<780x64xf32>
    %dot_general3A_633 = tpu.matmul %convert_element_type3A_579, %slice3A_631, %dot_general3A_632 {dimension_numbers = #tpu.dot_dimension_numbers<[1], [0], [0], [1], [0, 0, 1, 1], [], []>, transpose_lhs_hint = false} : vector<780x780xbf16>, vector<780x64xbf16>, vector<780x64xf32> -> vector<780x64xf32>
    %add3A_634 = arith.addf %add3A_625, %dot_general3A_633 : vector<780x64xf32>
    %get3A_635 = arith.constant 0 : index
    %get3A_636 = arith.constant 0 : index
    %get3A_637 = arith.constant 0 : index
    %get3A_638 = vector.load %arg11[%get3A_635, %get3A_636, %get3A_637] : memref<1x780x384xbf16, #tpu.memory_space<vmem>>, vector<1x780x384xbf16>
    %get3A_639 = vector.shape_cast %get3A_638 : vector<1x780x384xbf16> to vector<780x384xbf16>
    %slice3A_640 = vector.extract_strided_slice %get3A_639 {offsets = [0, 320], sizes = [780, 64], strides = [1, 1]} : vector<780x384xbf16> to vector<780x64xbf16>
    %dot_general3A_641 = arith.constant dense<0.000000e+00> : vector<780x64xf32>
    %dot_general3A_642 = tpu.matmul %convert_element_type3A_589, %slice3A_640, %dot_general3A_641 {dimension_numbers = #tpu.dot_dimension_numbers<[1], [0], [0], [1], [0, 0, 1, 1], [], []>, transpose_lhs_hint = false} : vector<780x780xbf16>, vector<780x64xbf16>, vector<780x64xf32> -> vector<780x64xf32>
    %add3A_643 = arith.addf %add3A_634, %dot_general3A_642 : vector<780x64xf32>
    %div3A_644 = arith.constant 1.000000e+00 : f32
    %div3A_645 = vector.broadcast %div3A_644 : f32 to vector<780x1xf32>
    %div3A_646 = arith.divf %div3A_645, %add3A_608 : vector<780x1xf32>
    %mul3A_647 = vector.broadcast %div3A_646 : vector<780x1xf32> to vector<780x64xf32>
    %mul3A_648 = arith.mulf %add3A_643, %mul3A_647 : vector<780x64xf32>
    %swap3A_649 = arith.constant 0 : index
    %swap3A_650 = arith.constant 0 : index
    %swap3A_651 = arith.constant 320 : index
    %swap3A_652 = vector.load %arg12[%swap3A_649, %swap3A_650, %swap3A_651] : memref<1x780x384xf32, #tpu.memory_space<vmem>>, vector<1x780x64xf32>
    %swap3A_653 = vector.shape_cast %swap3A_652 : vector<1x780x64xf32> to vector<780x64xf32>
    %swap3A_654 = vector.shape_cast %mul3A_648 : vector<780x64xf32> to vector<1x780x64xf32>
    tpu.vector_store %arg12[%swap3A_649, %swap3A_650, %swap3A_651], %swap3A_654 {strides = array<i32>} : memref<1x780x384xf32, #tpu.memory_space<vmem>>, vector<1x780x64xf32>,
    return
  }
  func.func @transform_0(%arg0: i32, %arg1: i32, %arg2: memref<8x4xi32, #tpu.memory_space<smem>>) -> (i32, i32, i32) {
    %c0_i32 = arith.constant 0 : i32
    %c0_i32_0 = arith.constant 0 : i32
    return %arg0, %c0_i32, %arg1 : i32, i32, i32
  }
  func.func @transform_1(%arg0: i32, %arg1: i32, %arg2: memref<8x4xi32, #tpu.memory_space<smem>>) -> (i32, i32, i32) {
    %get3A = arith.index_cast %arg0 : i32 to index
    %get3A_0 = arith.constant 0 : index
    %get3A_1 = memref.load %arg2[%get3A, %get3A_0] : memref<8x4xi32, #tpu.memory_space<smem>>
    %c0_i32 = arith.constant 0 : i32
    %c0_i32_2 = arith.constant 0 : i32
    return %get3A_1, %c0_i32, %arg1 : i32, i32, i32
  }
  func.func @transform_2(%arg0: i32, %arg1: i32, %arg2: memref<8x4xi32, #tpu.memory_space<smem>>) -> (i32, i32, i32) {
    %get3A = arith.index_cast %arg0 : i32 to index
    %get3A_0 = arith.constant 1 : index
    %get3A_1 = memref.load %arg2[%get3A, %get3A_0] : memref<8x4xi32, #tpu.memory_space<smem>>
    %c0_i32 = arith.constant 0 : i32
    %c0_i32_2 = arith.constant 0 : i32
    return %get3A_1, %c0_i32, %arg1 : i32, i32, i32
  }
  func.func @transform_3(%arg0: i32, %arg1: i32, %arg2: memref<8x4xi32, #tpu.memory_space<smem>>) -> (i32, i32, i32) {
    %get3A = arith.index_cast %arg0 : i32 to index
    %get3A_0 = arith.constant 2 : index
    %get3A_1 = memref.load %arg2[%get3A, %get3A_0] : memref<8x4xi32, #tpu.memory_space<smem>>
    %c0_i32 = arith.constant 0 : i32
    %c0_i32_2 = arith.constant 0 : i32
    return %get3A_1, %c0_i32, %arg1 : i32, i32, i32
  }
  func.func @transform_4(%arg0: i32, %arg1: i32, %arg2: memref<8x4xi32, #tpu.memory_space<smem>>) -> (i32, i32, i32) {
    %get3A = arith.index_cast %arg0 : i32 to index
    %get3A_0 = arith.constant 3 : index
    %get3A_1 = memref.load %arg2[%get3A, %get3A_0] : memref<8x4xi32, #tpu.memory_space<smem>>
    %c0_i32 = arith.constant 0 : i32
    %c0_i32_2 = arith.constant 0 : i32
    return %get3A_1, %c0_i32, %arg1 : i32, i32, i32
  }
  func.func @transform_5(%arg0: i32, %arg1: i32, %arg2: memref<8x4xi32, #tpu.memory_space<smem>>) -> (i32, i32, i32) {
    %get3A = arith.index_cast %arg0 : i32 to index
    %get3A_0 = arith.constant 0 : index
    %get3A_1 = memref.load %arg2[%get3A, %get3A_0] : memref<8x4xi32, #tpu.memory_space<smem>>
    %c0_i32 = arith.constant 0 : i32
    %c0_i32_2 = arith.constant 0 : i32
    return %get3A_1, %c0_i32, %arg1 : i32, i32, i32
  }
  func.func @transform_6(%arg0: i32, %arg1: i32, %arg2: memref<8x4xi32, #tpu.memory_space<smem>>) -> (i32, i32, i32) {
    %get3A = arith.index_cast %arg0 : i32 to index
    %get3A_0 = arith.constant 1 : index
    %get3A_1 = memref.load %arg2[%get3A, %get3A_0] : memref<8x4xi32, #tpu.memory_space<smem>>
    %c0_i32 = arith.constant 0 : i32
    %c0_i32_2 = arith.constant 0 : i32
    return %get3A_1, %c0_i32, %arg1 : i32, i32, i32
  }
  func.func @transform_7(%arg0: i32, %arg1: i32, %arg2: memref<8x4xi32, #tpu.memory_space<smem>>) -> (i32, i32, i32) {
    %get3A = arith.index_cast %arg0 : i32 to index
    %get3A_0 = arith.constant 2 : index
    %get3A_1 = memref.load %arg2[%get3A, %get3A_0] : memref<8x4xi32, #tpu.memory_space<smem>>
    %c0_i32 = arith.constant 0 : i32
    %c0_i32_2 = arith.constant 0 : i32
    return %get3A_1, %c0_i32, %arg1 : i32, i32, i32
  }
  func.func @transform_8(%arg0: i32, %arg1: i32, %arg2: memref<8x4xi32, #tpu.memory_space<smem>>) -> (i32, i32, i32) {
    %get3A = arith.index_cast %arg0 : i32 to index
    %get3A_0 = arith.constant 3 : index
    %get3A_1 = memref.load %arg2[%get3A, %get3A_0] : memref<8x4xi32, #tpu.memory_space<smem>>
    %c0_i32 = arith.constant 0 : i32
    %c0_i32_2 = arith.constant 0 : i32
    return %get3A_1, %c0_i32, %arg1 : i32, i32, i32
  }
  func.func @transform_9(%arg0: i32, %arg1: i32, %arg2: memref<8x4xi32, #tpu.memory_space<smem>>) -> (i32, i32, i32) {
    %c0_i32 = arith.constant 0 : i32
    %c0_i32_0 = arith.constant 0 : i32
    return %arg0, %c0_i32, %arg1 : i32, i32, i32
  }
}

</mosaic_0001>

<sc_bundles>
// kernel: kernel.4.cloned.1.call-start
scs
__scs_entry_jumppad:
0x0: {  	(pc) =	sbr.rel $0x88, $3  }
0x1: {  	(tag) =	ssettag $0x0;
	lr =	simm.s32 $0x1  }
0x2: {  	[smem:$0x3F9D] =	sst lr;
	_ =	strace $0xD0000000  }
0x3: {  	_ = 	snop  }
0x4: {  	_ = 	snop  }
0x5: {  	_ = 	snop  }
0x6: {  	_ = 	snop  }
0x7: {  	_ = 	snop  }
__scs_overlays_trampoline_lowered:
0x8: {  	[smem:$0x3FAC] =	sst s0  }
0x9: {  	[smem:$0x3FAD] =	sst s1  }
0xa: {  	[smem:$0x3FAE] =	sst s2  }
0xb: {  	[smem:$0x3FAF] =	sst s3  }
0xc: {  	[smem:$0x3FB0] =	sst s4  }
0xd: {  	[smem:$0x3FB1] =	sst s5  }
0xe: {  	[smem:$0x3FB2] =	sst s6  }
0xf: {  	[smem:$0x3FB3] =	sst s7  }
0x10: {  	[smem:$0x3FB4] =	sst s8  }
0x11: {  	[smem:$0x3FB5] =	sst s9;
	s0 =	simm.s32 @!p0 $0x0  }
0x12: {  	s1 =	sld [smem:$0x3F9B];
	s0 =	simm.s32 @p0 $0x1  }
0x13: {  	[smem:$0x3FB6] =	sst s0;
	s0 =	simm.s32 @!p1 $0x0  }
0x14: {  	s2 =	sld [smem:$0x3F9A];
	s0 =	simm.s32 @p1 $0x1  }
0x15: {  	[smem:$0x3FB7] =	sst s0;
	s0 =	simm.s32 @!p2 $0x0  }
0x16: {  	s3 =	sld [smem:$0x3FDB];
	s0 =	simm.s32 @p2 $0x1  }
0x17: {  	s4 =	simm.s32 $0x1BF5;
	[smem:$0x3FB9] =	sst s0  }
0x18: {  	s0 =	sld [smem:$0x3F9C];
	_ =	swait.ge [sflag:s4], $0x0  }
0x19: {  	s7 =	sld [smem:$0x3F9D]  }
0x1a: {  	s8 =	sadd.s32 $0xFFFFE003, lr  }
0x1b: {  	s9 =	sadd.s32 $0xFFFFFEF7, lr;
	s5 =	simm.s32 $0xFFFFFFFF;
	p2 =	slt.u32 s8, $0xFFFFF086  }
0x1c: {  	p1 =	slt.u32 s9, $0xF7A;
	s5 =	simm.s32 @!p2 $0x0  }
0x1d: {  	s5 =	simm.s32 @p1 $0x1;
	p0 =	seq.s32 s7, s2  }
0x1e: {  	s7 =	smul.u32 @!p0 $0xF7A, s2;
	p2 =	seq.s32 @!p0 s5, $0x0  }
0x1f: {  	s9 =	smul.u32 $0xF7A, s1;
	s8 =	simm.s32 @!p0 $0x1BF5;
	p2 =	por !p2, p0  }
0x20: {  	[sflag:s8] =	ssyncset.s32 @!p0 $0xFFFFF086;
	s6 =	sadd.s32 @!p0 s3, s7;
	s7 =	simm.s32 @!p0 $0x108  }
0x21: {  	s3 =	sadd.s32 s3, s9;
	s6 =	sadd.s32 @!p0 $0x88, s6;
	s7 =	simm.s32 @p2 $0x1082  }
0x22: {  	[simem:s7], [sflag:s8] =	dma.local @!p0 [hbm:s6], $0xF7A  }
0x23: {  	s9 =	sor.u32 $0xD0000000, s2;
	s6 =	simm.s32 $0x108;
	_ =	swait.ge @!p0 [sflag:s8], $0x0  }
0x24: {  	s3 =	sadd.s32 $0x88, s3;
	s6 =	simm.s32 @!p1 $0x1082;
	[sflag:s4] =	ssyncset.s32 $0xFFFFF086  }
0x25: {  	[simem:s6], [sflag:s4] =	dma.local [hbm:s3], $0xF7A  }
0x26: {  	[smem:$0x3F9D] =	sst s1;
	(tag) =	ssettag s2;
	_ =	strace s9  }
0x27: {  	s1 =	sld [smem:$0x3FAD]  }
0x28: {  	s2 =	sld [smem:$0x3FAE]  }
0x29: {  	s4 =	sld [smem:$0x3FB0]  }
0x2a: {  	p0 =	seq.s32 s5, $0x0;
	s5 =	sld [smem:$0x3FB1]  }
0x2b: {  	s6 =	sld [smem:$0x3FB2]  }
0x2c: {  	s7 =	sld [smem:$0x3FB3]  }
0x2d: {  	s3 =	simm.s32 $0x108;
	s8 =	sld [smem:$0x3FB4]  }
0x2e: {  	s3 =	simm.s32 @!p0 $0x1082;
	s9 =	sld [smem:$0x3FB5]  }
0x2f: {  	lr =	sadd.s32 s0, s3;
	s0 =	sld [smem:$0x3FAC]  }
0x30: {  	s3 =	sld [smem:$0x3FAF]  }
0x31: {  	[smem:$0x3FB8] =	sst s10  }
0x32: {  	s10 =	sld [smem:$0x3FB6];
	_ =	sdelay $0x3  }
0x33: {  	p0 =	seq.s32 s10, $0x1;
	s10 =	sld [smem:$0x3FB8];
	_ =	sdelay $0x3  }
0x34: {  	[smem:$0x3FB8] =	sst s10  }
0x35: {  	s10 =	sld [smem:$0x3FB7];
	_ =	sdelay $0x3  }
0x36: {  	p1 =	seq.s32 s10, $0x1;
	s10 =	sld [smem:$0x3FB8];
	_ =	sdelay $0x3  }
0x37: {  	[smem:$0x3FB8] =	sst s10  }
0x38: {  	s10 =	sld [smem:$0x3FB9]  }
0x39: {  	_ = 	snop;
	(pc) =	sbr.ind lr, $3  }
0x3a: {  	_ = 	snop  }
0x3b: {  	_ = 	snop  }
0x3c: {  	p2 =	seq.s32 s10, $0x1;
	s10 =	sld [smem:$0x3FB8]  }
0x3d: {  	_ =	shalt  }
0x3e: {  	_ =	shalt  }
0x3f: {  	_ =	shalt  }
0x40: {  	_ =	shalt  }
0x41: {  	_ =	shalt  }
0x42: {  	_ =	shalt  }
0x43: {  	_ =	shalt  }
0x44: {  	_ =	shalt  }
0x45: {  	_ =	shalt  }
0x46: {  	_ =	shalt  }
0x47: {  	_ =	shalt  }
0x48: {  	_ =	shalt  }
0x49: {  	_ =	shalt  }
0x4a: {  	_ =	shalt  }
0x4b: {  	_ =	shalt  }
0x4c: {  	_ =	shalt  }
0x4d: {  	_ =	shalt  }
0x4e: {  	_ =	shalt  }
0x4f: {  	_ =	shalt  }
0x50: {  	_ =	shalt  }
0x51: {  	_ =	shalt  }
0x52: {  	_ =	shalt  }
0x53: {  	_ =	shalt  }
0x54: {  	_ =	shalt  }
0x55: {  	_ =	shalt  }
0x56: {  	_ =	shalt  }
0x57: {  	_ =	shalt  }
0x58: {  	_ =	shalt  }
0x59: {  	_ =	shalt  }
0x5a: {  	_ =	shalt  }
0x5b: {  	_ =	shalt  }
0x5c: {  	_ =	shalt  }
0x5d: {  	_ =	shalt  }
0x5e: {  	_ =	shalt  }
0x5f: {  	_ =	shalt  }
0x60: {  	_ =	shalt  }
0x61: {  	_ =	shalt  }
0x62: {  	_ =	shalt  }
0x63: {  	_ =	shalt  }
0x64: {  	_ =	shalt  }
0x65: {  	_ =	shalt  }
0x66: {  	_ =	shalt  }
0x67: {  	_ =	shalt  }
0x68: {  	_ =	shalt  }
0x69: {  	_ =	shalt  }
0x6a: {  	_ =	shalt  }
0x6b: {  	_ =	shalt  }
0x6c: {  	_ =	shalt  }
0x6d: {  	_ =	shalt  }
0x6e: {  	_ =	shalt  }
0x6f: {  	_ =	shalt  }
0x70: {  	_ =	shalt  }
0x71: {  	_ =	shalt  }
0x72: {  	_ =	shalt  }
0x73: {  	_ =	shalt  }
0x74: {  	_ =	shalt  }
0x75: {  	_ =	shalt  }
0x76: {  	_ =	shalt  }
0x77: {  	_ =	shalt  }
0x78: {  	_ =	shalt  }
0x79: {  	_ =	shalt  }
0x7a: {  	_ =	shalt  }
0x7b: {  	_ =	shalt  }
0x7c: {  	_ =	shalt  }
0x7d: {  	_ =	shalt  }
0x7e: {  	_ =	shalt  }
0x7f: {  	_ =	shalt  }
0x80: {  	_ =	shalt  }
0x81: {  	_ =	shalt  }
0x82: {  	_ =	shalt  }
0x83: {  	_ =	shalt  }
0x84: {  	_ =	shalt  }
0x85: {  	_ =	shalt  }
0x86: {  	_ =	shalt  }
0x87: {  	_ =	shalt  }
.Lfunc_end0:
.L_simem_size_0:
called_computation_lowered:
.L_overlay_start_0:
0x88: {  	s2 =	sld [smem:$0x3FD9]  }
0x89: {  	s3 =	sld [smem:$0x3FFE];
	_ =	sdelay $0x1  }
0x8a: {  	s1 =	srdreg.scid  }
0x8b: {  	s0 =	sand.u32 $0x1, s1  }
0x8c: {  	s28 =	sshll.u32 s0, $0xA;
	s2 =	sadd.s32 s3, s2  }
0x8d: {  	s2 =	sadd.s32 s2, s28  }
0x8e: {  	[smem:$0x3FC4] =	sst s2  }
0x8f: {  	_ = 	snop  }
0x90: {  	s4 =	sld [smem:$0x3FC6];
	(tm) =	ssettm $0x1  }
0x91: {  	s29 =	sld [smem:$0x3FFB];
	_ =	sdelay $0x3  }
0x92: {  	_ =	strace s29  }
0x93: {  	s2 =	sld [smem:$0x3FFC];
	_ =	sdelay $0x3  }
0x94: {  	_ =	strace s2  }
0x95: {  	s2 =	sld [smem:$0x3FFD];
	_ =	sdelay $0x3  }
0x96: {  	_ =	strace s2  }
0x97: {  	s30 =	simm.s32 $0x1B8B;
	_ =	strace $0x8FFFFFFF  }
0x98: {  	p0 =	seq.s32 s0, $0x1;
	_ =	swait.ge [sflag:s30], $0x1  }
.Ltmp0:
0x99: {  	[sflag:s30] =	ssyncset.done $0x0;
	(pc) =	sbr.rel @p0 .LBB1_4-.Ltmp0, $3  }
0x9a: {  	s31 =	simm.s32 $0x1B8E;
	[sflag:s30] =	ssyncadd.s32 $0xFFFFFFFF  }
0x9b: {  	[smem:$0x3FD2] =	sst s31  }
0x9c: {  	s3 =	sld [smem:$0x3FFE];
	_ =	strace $0x80000046  }
0x9d: {  	s2 =	simm.s32 $0x9;
	s5 =	simm.s32 $0x10  }
0x9e: {  	[smem:s5], [sflag:s2] =	dma.local [hbm:s4], $0x80  }
0x9f: {  	_ =	swait.ge [sflag:s2], $0x80  }
0xa0: {  	s18 =	simm.s32 $0x0;
	[sflag:s2] =	ssyncset.done $0x0  }
0xa1: {  	[sflag:s2] =	ssyncadd.s32 $0xFFFFFF80;
	[smem:$0x410] =	sst s18  }
0xa2: {  	s4 =	sld [smem:$0x10];
	_ =	sdelay $0x3  }
0xa3: {  	p0 =	sgt.f32 s4, $-3.000000010e+38;
	_ =	sdelay $0x1  }
0xa4: {  	s5 =	simm.s32 @!p0 $0x0  }
0xa5: {  	s5 =	simm.s32 @p0 $0x1  }
0xa6: {  	[smem:$0x3F90] =	sst s5  }
0xa7: {  	p1 =	por $0x0, $0x0;
	s11 =	sld [smem:$0x11]  }
0xa8: {  	p1 =	por !p1, !p0  }
0xa9: {  	s13 =	smov.u32 s4;
	p1 =	por !p1, !p1  }
0xaa: {  	s13 =	simm.s32 @!p1 $0xFF61B1E6  }
0xab: {  	p2 =	sgt.f32 s11, s13  }
0xac: {  	p3 =	por $0x1, $0x1;
	s12 =	sld [smem:$0x12]  }
0xad: {  	p2 =	por !p3, !p2  }
0xae: {  	p2 =	por !p2, !p2  }
0xaf: {  	s13 =	smov.u32 @p2 s11  }
0xb0: {  	p3 =	sgt.f32 s12, s13  }
0xb1: {  	p4 =	por $0x1, $0x1;
	s10 =	sld [smem:$0x13]  }
0xb2: {  	p3 =	por !p4, !p3  }
0xb3: {  	p3 =	por !p3, !p3  }
0xb4: {  	s13 =	smov.u32 @p3 s12  }
0xb5: {  	p4 =	sgt.f32 s10, s13  }
0xb6: {  	p5 =	por $0x1, $0x1;
	s9 =	sld [smem:$0x14]  }
0xb7: {  	p4 =	por !p5, !p4  }
0xb8: {  	p4 =	por !p4, !p4  }
0xb9: {  	s13 =	smov.u32 @p4 s10  }
0xba: {  	p5 =	sgt.f32 s9, s13  }
0xbb: {  	p6 =	por $0x1, $0x1;
	s6 =	sld [smem:$0x15]  }
0xbc: {  	p5 =	por !p6, !p5  }
0xbd: {  	p5 =	por !p5, !p5  }
0xbe: {  	s13 =	smov.u32 @p5 s9  }
0xbf: {  	p0 =	sgt.f32 s6, s13  }
0xc0: {  	s5 =	sld [smem:$0x16];
	p6 =	por $0x1, $0x1  }
0xc1: {  	s7 =	simm.s32 $0x1;
	p0 =	por !p6, !p0  }
0xc2: {  	s7 =	simm.s32 @!p1 $0x0;
	p0 =	por !p0, !p0  }
0xc3: {  	s8 =	sadd.s32 $0xFFFFFFFF, s7;
	s13 =	smov.u32 @p0 s6  }
0xc4: {  	s8 =	simm.s32 @p2 $0x1;
	p2 =	sgt.f32 s5, s13  }
0xc5: {  	s19 =	sld [smem:$0x17];
	s8 =	simm.s32 @p3 $0x2;
	p3 =	por $0x1, $0x1  }
0xc6: {  	s8 =	simm.s32 @p4 $0x3;
	p1 =	por !p3, !p2  }
0xc7: {  	s8 =	simm.s32 @p5 $0x4;
	p1 =	por !p1, !p1  }
0xc8: {  	s8 =	simm.s32 @p0 $0x5;
	s13 =	smov.u32 @p1 s5  }
0xc9: {  	s8 =	simm.s32 @p1 $0x6;
	p0 =	sgt.f32 s19, s13  }
0xca: {  	p5 =	por $0x1, $0x1;
	s13 =	smov.u32 s8  }
0xcb: {  	s13 =	simm.s32 @p0 $0x7;
	p0 =	por p5, p5  }
0xcc: {  	s20 =	sld [smem:$0x3F90];
	s14 =	simm.s32 @!p0 $0x0;
	s8 =	smov.u32 @p0 s13  }
0xcd: {  	p6 =	por $0x0, $0x0;
	s14 =	simm.s32 @p0 $0x1;
	p0 =	sne.s32 s8, $0x0  }
0xce: {  	p0 =	por !p6, !p0  }
0xcf: {  	p0 =	por !p0, !p0  }
0xd0: {  	p4 =	por $0x1, $0x1;
	p2 =	seq.s32 s20, $0x1;
	s13 =	simm.s32 @!p0 $0x0  }
0xd1: {  	p3 =	sne.s32 s8, $0x1;
	s13 =	simm.s32 @p0 $0x1;
	p0 =	por !p0, !p2  }
0xd2: {  	[smem:$0x3F8F] =	sst s14;
	s14 =	smov.u32 s4;
	p6 =	por !p0, !p0  }
0xd3: {  	p0 =	por !p4, !p3;
	s14 =	simm.s32 @!p6 $0xFF61B1E6  }
0xd4: {  	p0 =	por !p0, !p0;
	p5 =	sgt.f32 s11, s14  }
0xd5: {  	[smem:$0x3F91] =	sst s13;
	s13 =	simm.s32 @!p0 $0x0  }
0xd6: {  	s13 =	simm.s32 @p0 $0x1;
	p0 =	por !p0, !p5  }
0xd7: {  	p2 =	sne.s32 s8, $0x2;
	p3 =	por $0x1, $0x1;
	p5 =	por !p0, !p0  }
0xd8: {  	p0 =	por !p3, !p2;
	s14 =	smov.u32 @p5 s11  }
0xd9: {  	p0 =	por !p0, !p0;
	p4 =	sgt.f32 s12, s14  }
0xda: {  	[smem:$0x3F92] =	sst s13;
	s13 =	simm.s32 @!p0 $0x0  }
0xdb: {  	s13 =	simm.s32 @p0 $0x1;
	p0 =	por !p0, !p4  }
0xdc: {  	p1 =	sne.s32 s8, $0x3;
	p2 =	por $0x1, $0x1;
	p4 =	por !p0, !p0  }
0xdd: {  	p0 =	por !p2, !p1;
	s14 =	smov.u32 @p4 s12  }
0xde: {  	p0 =	por !p0, !p0;
	p3 =	sgt.f32 s10, s14  }
0xdf: {  	[smem:$0x3F93] =	sst s13;
	s13 =	simm.s32 @!p0 $0x0  }
0xe0: {  	s13 =	simm.s32 @p0 $0x1;
	p0 =	por !p0, !p3  }
0xe1: {  	p1 =	sne.s32 s8, $0x4;
	p2 =	por $0x1, $0x1;
	p3 =	por !p0, !p0  }
0xe2: {  	p0 =	por !p2, !p1;
	s14 =	smov.u32 @p3 s10  }
0xe3: {  	p0 =	por !p0, !p0;
	p2 =	sgt.f32 s9, s14  }
0xe4: {  	[smem:$0x3F94] =	sst s13;
	s13 =	simm.s32 @!p0 $0x0  }
0xe5: {  	s13 =	simm.s32 @p0 $0x1;
	p0 =	por !p0, !p2  }
0xe6: {  	p1 =	sne.s32 s8, $0x5;
	p2 =	por !p0, !p0;
	p0 =	por $0x1, $0x1  }
0xe7: {  	s14 =	smov.u32 @p2 s9;
	p1 =	por !p0, !p1  }
0xe8: {  	p0 =	sgt.f32 s6, s14;
	p1 =	por !p1, !p1  }
0xe9: {  	[smem:$0x3F95] =	sst s13;
	s13 =	simm.s32 @!p1 $0x0  }
0xea: {  	s21 =	sld [smem:$0x3F8F];
	s13 =	simm.s32 @p1 $0x1;
	p0 =	por !p1, !p0  }
0xeb: {  	p1 =	sne.s32 s8, $0x6;
	[smem:$0x3F96] =	sst s13;
	s13 =	simm.s32 $0x1  }
0xec: {  	p0 =	por !p0, !p0;
	s13 =	simm.s32 @!p6 $0x0;
	p6 =	por $0x1, $0x1  }
0xed: {  	s14 =	smov.u32 @p0 s6;
	s13 =	sadd.s32 $0xFFFFFFFF, s13;
	p1 =	por !p6, !p1  }
0xee: {  	p6 =	sgt.f32 s5, s14;
	s13 =	simm.s32 @p5 $0x1;
	p1 =	por !p1, !p1  }
0xef: {  	s13 =	simm.s32 @p4 $0x2;
	s15 =	simm.s32 @!p1 $0x0  }
0xf0: {  	s15 =	simm.s32 @p1 $0x1;
	s13 =	simm.s32 @p3 $0x3;
	p1 =	por !p1, !p6  }
0xf1: {  	s22 =	sld [smem:$0x3F90];
	s13 =	simm.s32 @p2 $0x4;
	p1 =	por !p1, !p1  }
0xf2: {  	p4 =	seq.s32 s21, $0x1;
	s13 =	simm.s32 @p0 $0x5;
	s14 =	smov.u32 @p1 s5  }
0xf3: {  	p3 =	sne.s32 s8, $0x7;
	s13 =	simm.s32 @p1 $0x6;
	p1 =	sgt.f32 s19, s14  }
0xf4: {  	p0 =	por !p4, !p3;
	s14 =	smov.u32 s13  }
0xf5: {  	s23 =	sld [smem:$0x3F91];
	p0 =	por !p0, !p0;
	s14 =	simm.s32 @p1 $0x7  }
0xf6: {  	s13 =	smov.u32 @p0 s14  }
0xf7: {  	p6 =	seq.s32 s22, $0x1;
	p5 =	sne.s32 s13, $0x0  }
0xf8: {  	p1 =	por !p5, !p6  }
0xf9: {  	p2 =	seq.s32 s23, $0x1;
	p1 =	por !p1, !p1  }
0xfa: {  	p1 =	por !p1, !p2  }
0xfb: {  	p1 =	por !p1, !p1  }
0xfc: {  	s24 =	sld [smem:$0x3F92];
	s4 =	simm.s32 @!p1 $0xFF61B1E6  }
0xfd: {  	p3 =	sgt.f32 s11, s4  }
0xfe: {  	p4 =	sne.s32 s13, $0x1  }
0xff: {  	p2 =	por !p4, !p3  }
0x100: {  	p5 =	seq.s32 s24, $0x1;
	p2 =	por !p2, !p2  }
0x101: {  	p2 =	por !p2, !p5  }
0x102: {  	p2 =	por !p2, !p2  }
0x103: {  	s25 =	sld [smem:$0x3F93];
	s4 =	smov.u32 @p2 s11  }
0x104: {  	[smem:$0x3F97] =	sst s15;
	s15 =	simm.s32 @!p0 $0x0;
	p6 =	sgt.f32 s12, s4  }
0x105: {  	s15 =	simm.s32 @p0 $0x1;
	p0 =	sne.s32 s13, $0x2  }
0x106: {  	p3 =	por !p0, !p6  }
0x107: {  	p5 =	seq.s32 s25, $0x1;
	p3 =	por !p3, !p3  }
0x108: {  	p3 =	por !p3, !p5  }
0x109: {  	p3 =	por !p3, !p3  }
0x10a: {  	s26 =	sld [smem:$0x3F94];
	s4 =	smov.u32 @p3 s12  }
0x10b: {  	p6 =	sgt.f32 s10, s4  }
0x10c: {  	p0 =	sne.s32 s13, $0x3  }
0x10d: {  	p4 =	por !p0, !p6  }
0x10e: {  	p5 =	seq.s32 s26, $0x1;
	p4 =	por !p4, !p4  }
0x10f: {  	p4 =	por !p4, !p5  }
0x110: {  	p4 =	por !p4, !p4  }
0x111: {  	s28 =	sld [smem:$0x3F95];
	s4 =	smov.u32 @p4 s10  }
0x112: {  	p6 =	sgt.f32 s9, s4  }
0x113: {  	p0 =	sne.s32 s13, $0x4  }
0x114: {  	p5 =	por !p0, !p6  }
0x115: {  	p6 =	seq.s32 s28, $0x1;
	p5 =	por !p5, !p5  }
0x116: {  	p5 =	por !p5, !p6  }
0x117: {  	p5 =	por !p5, !p5  }
0x118: {  	s29 =	sld [smem:$0x3F96];
	s4 =	smov.u32 @p5 s9  }
0x119: {  	p6 =	sgt.f32 s6, s4  }
0x11a: {  	p0 =	sne.s32 s13, $0x5  }
0x11b: {  	p0 =	por !p0, !p6  }
0x11c: {  	p6 =	seq.s32 s29, $0x1;
	p0 =	por !p0, !p0  }
0x11d: {  	s9 =	simm.s32 $0x1;
	p0 =	por !p0, !p6  }
0x11e: {  	s9 =	simm.s32 @!p1 $0x0;
	p0 =	por !p0, !p0  }
0x11f: {  	s30 =	sld [smem:$0x3F97];
	s11 =	sadd.s32 $0xFFFFFFFF, s9;
	s4 =	smov.u32 @p0 s6  }
0x120: {  	s11 =	simm.s32 @p2 $0x1;
	p1 =	sgt.f32 s5, s4  }
0x121: {  	[smem:$0x3F98] =	sst s15;
	s11 =	simm.s32 @p3 $0x2;
	p6 =	sne.s32 s13, $0x6  }
0x122: {  	s31 =	sld [smem:$0x3F98];
	s11 =	simm.s32 @p4 $0x3;
	p1 =	por !p6, !p1  }
0x123: {  	s11 =	simm.s32 @p5 $0x4;
	p5 =	seq.s32 s30, $0x1;
	p1 =	por !p1, !p1  }
0x124: {  	p1 =	por !p1, !p5  }
0x125: {  	s11 =	simm.s32 @p0 $0x5;
	p0 =	por !p1, !p1  }
0x126: {  	s4 =	smov.u32 @p0 s5;
	s11 =	simm.s32 @p0 $0x6  }
0x127: {  	p1 =	seq.s32 s31, $0x1;
	p0 =	sgt.f32 s19, s4;
	s5 =	smov.u32 s11  }
0x128: {  	s6 =	smov.u32 s11;
	s5 =	simm.s32 @p1 $0x7  }
0x129: {  	p6 =	por $0x1, $0x1;
	s6 =	smov.u32 @p0 s5;
	p0 =	sne.s32 s13, $0x7  }
0x12a: {  	s11 =	smov.u32 @p0 s6;
	p0 =	por p6, p6  }
0x12b: {  	[smem:$0x411] =	sst s8;
	s8 =	simm.s32 @!p0 $0x0  }
0x12c: {  	s3 =	sadd.s32 $0x600, s3;
	s7 =	simm.s32 $0x400;
	s8 =	simm.s32 @p0 $0x1  }
0x12d: {  	s4 =	simm.s32 $0x1;
	s5 =	simm.s32 $0x200;
	[smem:$0x3F99] =	sst s8  }
0x12e: {  	s6 =	simm.s32 $0x0;
	[smem:$0x412] =	sst s13;
	s8 =	simm.s32 $0x1  }
.LBB1_2:
0x12f: {  	p0 =	sne.s32 s7, $0xE00  }
0x130: {  	[smem:s6+$0x413] =	sst s11;
	s6 =	sshra.s32 s5, $0x2;
	s9 =	simm.s32 @!p0 $0x0  }
0x131: {  	[smem:s6+$0x410] =	sst s8;
	s9 =	simm.s32 @p0 $0x1  }
0x132: {  	[smem:$0x3F8E] =	sst s9  }
0x133: {  	s9 =	sld [smem:s6+$0x10];
	_ =	sdelay $0x3  }
0x134: {  	p0 =	sgt.f32 s9, $-3.000000010e+38;
	_ =	sdelay $0x1  }
0x135: {  	p6 =	sne.s32 s5, $0x0;
	s15 =	sld [smem:s6+$0x11];
	s10 =	simm.s32 @!p0 $0x0  }
0x136: {  	s10 =	simm.s32 @p0 $0x1;
	p0 =	por !p6, !p0  }
0x137: {  	s18 =	smov.u32 s9;
	p0 =	por !p0, !p0  }
0x138: {  	s18 =	simm.s32 @!p0 $0xFF61B1E6  }
0x139: {  	p5 =	sgt.f32 s15, s18  }
0x13a: {  	s12 =	simm.s32 $0x1;
	p1 =	sne.s32 s5, $0x200;
	s16 =	sld [smem:s6+$0x12]  }
0x13b: {  	s12 =	simm.s32 @!p0 $0x0;
	p0 =	por !p1, !p5  }
0x13c: {  	p5 =	por !p0, !p0  }
0x13d: {  	s18 =	smov.u32 @p5 s15  }
0x13e: {  	[smem:$0x3F86] =	sst s10;
	s10 =	simm.s32 @!p1 $0x0;
	p2 =	sgt.f32 s16, s18  }
0x13f: {  	s14 =	sld [smem:s6+$0x13];
	s10 =	simm.s32 @p1 $0x1;
	p1 =	sne.s32 s5, $0x400  }
0x140: {  	p0 =	por !p1, !p2  }
0x141: {  	p4 =	por !p0, !p0  }
0x142: {  	s18 =	smov.u32 @p4 s16  }
0x143: {  	[smem:$0x3F7D] =	sst s10;
	s10 =	simm.s32 @!p1 $0x0;
	p3 =	sgt.f32 s14, s18  }
0x144: {  	s13 =	sld [smem:s6+$0x14];
	s10 =	simm.s32 @p1 $0x1;
	p1 =	sne.s32 s5, $0x600  }
0x145: {  	p0 =	por !p1, !p3  }
0x146: {  	s11 =	sld [smem:s6+$0x15];
	p3 =	por !p0, !p0  }
0x147: {  	[smem:$0x3F7E] =	sst s10;
	s10 =	simm.s32 @!p1 $0x0;
	s18 =	smov.u32 @p3 s14  }
0x148: {  	s10 =	simm.s32 @p1 $0x1;
	p1 =	sne.s32 s5, $0x800;
	p2 =	sgt.f32 s13, s18  }
0x149: {  	[smem:$0x3F7F] =	sst s10;
	s10 =	simm.s32 @!p1 $0x0  }
0x14a: {  	s10 =	simm.s32 @p1 $0x1;
	p0 =	por !p1, !p2;
	p1 =	sne.s32 s5, $0xA00  }
0x14b: {  	[smem:$0x3F80] =	sst s10;
	p2 =	por !p0, !p0;
	s10 =	simm.s32 @!p1 $0x0  }
0x14c: {  	s18 =	smov.u32 @p2 s13;
	s10 =	simm.s32 @p1 $0x1  }
0x14d: {  	p0 =	sgt.f32 s11, s18;
	[smem:$0x3F81] =	sst s10  }
0x14e: {  	s10 =	sld [smem:s6+$0x16]  }
0x14f: {  	p0 =	por !p1, !p0  }
0x150: {  	p0 =	por !p0, !p0  }
0x151: {  	s19 =	sadd.s32 $0xFFFFFFFF, s12;
	s18 =	smov.u32 @p0 s11  }
0x152: {  	s19 =	simm.s32 @p5 $0x1;
	p1 =	sgt.f32 s10, s18  }
0x153: {  	s12 =	sld [smem:s6+$0x17];
	p5 =	sne.s32 s5, $0xC00;
	s19 =	simm.s32 @p4 $0x2  }
0x154: {  	s19 =	simm.s32 @p3 $0x3;
	p1 =	por !p5, !p1  }
0x155: {  	s22 =	sld [smem:$0x3F99];
	s19 =	simm.s32 @p2 $0x4;
	p1 =	por !p1, !p1  }
0x156: {  	s19 =	simm.s32 @p0 $0x5;
	s18 =	smov.u32 @p1 s10  }
0x157: {  	s17 =	smov.u32 s7;
	s19 =	simm.s32 @p1 $0x6;
	p0 =	sgt.f32 s12, s18  }
0x158: {  	s23 =	sld [smem:$0x3F7D];
	s5 =	smov.u32 s17;
	s17 =	smov.u32 s19  }
0x159: {  	s24 =	sld [smem:$0x3F7E];
	p4 =	seq.s32 s22, $0x1;
	s17 =	simm.s32 @p0 $0x7  }
0x15a: {  	s19 =	smov.u32 @p4 s17  }
0x15b: {  	s25 =	sld [smem:$0x3F86];
	p3 =	sne.s32 s19, $0x0  }
0x15c: {  	p1 =	sne.s32 s19, $0x1;
	p3 =	por !p6, !p3;
	p6 =	seq.s32 s23, $0x1  }
0x15d: {  	p2 =	sne.s32 s19, $0x2;
	p6 =	por !p6, !p1;
	p1 =	seq.s32 s24, $0x1  }
0x15e: {  	s26 =	sld [smem:$0x3F7F];
	p0 =	por !p1, !p2  }
0x15f: {  	s28 =	sld [smem:$0x3F80];
	s17 =	simm.s32 @!p0 $0x0  }
0x160: {  	p1 =	por !p3, !p3;
	p2 =	sne.s32 s19, $0x3;
	s17 =	simm.s32 @p0 $0x1  }
0x161: {  	p0 =	seq.s32 s25, $0x1;
	[smem:$0x3F82] =	sst s17;
	s17 =	simm.s32 @!p1 $0x0  }
0x162: {  	p0 =	por !p1, !p0;
	s17 =	simm.s32 @p1 $0x1;
	p1 =	seq.s32 s26, $0x1  }
0x163: {  	p3 =	sne.s32 s19, $0x4;
	p2 =	por !p1, !p2;
	p1 =	seq.s32 s28, $0x1  }
0x164: {  	s20 =	sld [smem:$0x3F81];
	p1 =	por !p1, !p3  }
0x165: {  	[smem:$0x3F87] =	sst s17;
	s17 =	simm.s32 @!p1 $0x0  }
0x166: {  	s18 =	smov.u32 s9;
	p0 =	por !p0, !p0;
	s17 =	simm.s32 @p1 $0x1  }
0x167: {  	s18 =	simm.s32 @!p0 $0xFF61B1E6;
	[smem:$0x3F83] =	sst s17;
	s17 =	simm.s32 $0x1  }
0x168: {  	p3 =	sne.s32 s19, $0x5;
	s17 =	simm.s32 @!p0 $0x0;
	p0 =	seq.s32 s20, $0x1  }
0x169: {  	s29 =	sld [smem:$0x3F8E];
	p1 =	sne.s32 s19, $0x6;
	p0 =	por !p0, !p3  }
0x16a: {  	s30 =	sld [smem:$0x3F82];
	p5 =	por !p5, !p1;
	s20 =	simm.s32 @!p0 $0x0  }
0x16b: {  	p1 =	sne.s32 s19, $0x7;
	p3 =	por !p6, !p6;
	s20 =	simm.s32 @p0 $0x1  }
0x16c: {  	p0 =	sgt.f32 s15, s18;
	[smem:$0x3F84] =	sst s20;
	s20 =	simm.s32 @!p3 $0x0  }
0x16d: {  	p1 =	por !p4, !p1;
	p4 =	seq.s32 s29, $0x1;
	s20 =	simm.s32 @p3 $0x1  }
0x16e: {  	p0 =	por !p3, !p0;
	[smem:$0x3F88] =	sst s20;
	s20 =	simm.s32 @!p1 $0x0  }
0x16f: {  	s20 =	simm.s32 @p1 $0x1;
	p1 =	por p4, p4;
	p4 =	por !p0, !p0  }
0x170: {  	[smem:s6+$0x411] =	sst s19;
	s18 =	smov.u32 @p4 s15  }
0x171: {  	p3 =	seq.s32 s30, $0x1;
	s19 =	simm.s32 @!p1 $0x0;
	p6 =	sgt.f32 s16, s18  }
0x172: {  	s19 =	simm.s32 @p1 $0x1;
	p1 =	por !p3, !p3  }
0x173: {  	p0 =	por !p1, !p6  }
0x174: {  	p3 =	por !p0, !p0  }
0x175: {  	s18 =	smov.u32 @p3 s16  }
0x176: {  	[smem:$0x3F99] =	sst s19;
	s19 =	simm.s32 @!p1 $0x0;
	p6 =	sgt.f32 s14, s18  }
0x177: {  	s31 =	sld [smem:$0x3F83];
	s19 =	simm.s32 @p1 $0x1;
	p1 =	por !p2, !p2  }
0x178: {  	p0 =	por !p1, !p6  }
0x179: {  	[smem:$0x3F85] =	sst s20;
	p2 =	por !p0, !p0  }
0x17a: {  	[smem:$0x3F89] =	sst s19;
	s18 =	smov.u32 @p2 s14  }
0x17b: {  	s19 =	simm.s32 @!p1 $0x0;
	p6 =	seq.s32 s31, $0x1;
	p0 =	sgt.f32 s13, s18  }
0x17c: {  	s20 =	sld [smem:$0x3F84];
	s19 =	simm.s32 @p1 $0x1;
	p1 =	por !p6, !p6  }
0x17d: {  	[smem:$0x3F8A] =	sst s19;
	s19 =	simm.s32 @!p1 $0x0;
	p0 =	por !p1, !p0  }
0x17e: {  	s19 =	simm.s32 @p1 $0x1;
	p1 =	por !p0, !p0  }
0x17f: {  	s18 =	smov.u32 @p1 s13  }
0x180: {  	p6 =	seq.s32 s20, $0x1;
	p0 =	sgt.f32 s11, s18  }
0x181: {  	p6 =	por !p6, !p6  }
0x182: {  	[smem:$0x3F8B] =	sst s19;
	s19 =	simm.s32 @!p6 $0x0;
	p0 =	por !p6, !p0  }
0x183: {  	s19 =	simm.s32 @p6 $0x1;
	p6 =	por !p0, !p0  }
0x184: {  	s17 =	sadd.s32 $0xFFFFFFFF, s17;
	s18 =	smov.u32 @p6 s11  }
0x185: {  	s17 =	simm.s32 @p4 $0x1;
	p0 =	sgt.f32 s10, s18  }
0x186: {  	p4 =	por !p5, !p5;
	s17 =	simm.s32 @p3 $0x2  }
0x187: {  	s21 =	sld [smem:$0x3F85];
	s17 =	simm.s32 @p2 $0x3;
	p0 =	por !p4, !p0  }
0x188: {  	s17 =	simm.s32 @p1 $0x4;
	p0 =	por !p0, !p0  }
0x189: {  	s17 =	simm.s32 @p6 $0x5;
	s18 =	smov.u32 @p0 s10  }
0x18a: {  	s22 =	sld [smem:$0x3F86];
	s17 =	simm.s32 @p0 $0x6;
	p1 =	sgt.f32 s12, s18  }
0x18b: {  	p6 =	seq.s32 s21, $0x1;
	s18 =	smov.u32 s17  }
0x18c: {  	s23 =	sld [smem:$0x3F87];
	p6 =	por !p6, !p6;
	s18 =	simm.s32 @p1 $0x7  }
0x18d: {  	s17 =	smov.u32 @p6 s18  }
0x18e: {  	p2 =	seq.s32 s22, $0x1;
	p1 =	sne.s32 s17, $0x0  }
0x18f: {  	p0 =	por !p1, !p2  }
0x190: {  	p3 =	seq.s32 s23, $0x1;
	p0 =	por !p0, !p0  }
0x191: {  	p0 =	por !p0, !p3  }
0x192: {  	s24 =	sld [smem:$0x3F88];
	p0 =	por !p0, !p0  }
0x193: {  	[smem:$0x3F8C] =	sst s19;
	s19 =	simm.s32 @!p4 $0x0;
	s9 =	simm.s32 @!p0 $0xFF61B1E6  }
0x194: {  	s19 =	simm.s32 @p4 $0x1;
	p4 =	sgt.f32 s15, s9  }
0x195: {  	s18 =	simm.s32 $0x1;
	p5 =	sne.s32 s17, $0x1  }
0x196: {  	s18 =	simm.s32 @!p0 $0x0;
	p0 =	por !p5, !p4  }
0x197: {  	p2 =	seq.s32 s24, $0x1;
	p0 =	por !p0, !p0  }
0x198: {  	p0 =	por !p0, !p2  }
0x199: {  	p0 =	por !p0, !p0  }
0x19a: {  	s25 =	sld [smem:$0x3F89];
	s9 =	smov.u32 @p0 s15  }
0x19b: {  	p3 =	sgt.f32 s16, s9  }
0x19c: {  	p4 =	sne.s32 s17, $0x2  }
0x19d: {  	p1 =	por !p4, !p3  }
0x19e: {  	p5 =	seq.s32 s25, $0x1;
	p1 =	por !p1, !p1  }
0x19f: {  	p1 =	por !p1, !p5  }
0x1a0: {  	p1 =	por !p1, !p1  }
0x1a1: {  	s26 =	sld [smem:$0x3F8A];
	s9 =	smov.u32 @p1 s16  }
0x1a2: {  	p3 =	sgt.f32 s14, s9  }
0x1a3: {  	p4 =	sne.s32 s17, $0x3  }
0x1a4: {  	p2 =	por !p4, !p3  }
0x1a5: {  	p5 =	seq.s32 s26, $0x1;
	p2 =	por !p2, !p2  }
0x1a6: {  	p2 =	por !p2, !p5  }
0x1a7: {  	p2 =	por !p2, !p2  }
0x1a8: {  	s28 =	sld [smem:$0x3F8B];
	s9 =	smov.u32 @p2 s14  }
0x1a9: {  	p4 =	sgt.f32 s13, s9  }
0x1aa: {  	p5 =	sne.s32 s17, $0x4  }
0x1ab: {  	p3 =	por !p5, !p4  }
0x1ac: {  	p5 =	seq.s32 s28, $0x1;
	p3 =	por !p3, !p3  }
0x1ad: {  	p3 =	por !p3, !p5  }
0x1ae: {  	p3 =	por !p3, !p3  }
0x1af: {  	s29 =	sld [smem:$0x3F8C];
	s9 =	smov.u32 @p3 s13  }
0x1b0: {  	p4 =	sgt.f32 s11, s9  }
0x1b1: {  	p5 =	sne.s32 s17, $0x5  }
0x1b2: {  	p4 =	por !p5, !p4  }
0x1b3: {  	p5 =	seq.s32 s29, $0x1;
	p4 =	por !p4, !p4  }
0x1b4: {  	p4 =	por !p4, !p5  }
0x1b5: {  	[smem:$0x3F8D] =	sst s19;
	p4 =	por !p4, !p4  }
0x1b6: {  	s30 =	sld [smem:$0x3F8D];
	s9 =	smov.u32 @p4 s11  }
0x1b7: {  	s11 =	sadd.s32 $0xFFFFFFFF, s18;
	p5 =	sgt.f32 s10, s9  }
0x1b8: {  	s11 =	simm.s32 @p0 $0x1;
	p0 =	sne.s32 s17, $0x6  }
0x1b9: {  	s11 =	simm.s32 @p1 $0x2;
	p0 =	por !p0, !p5  }
0x1ba: {  	s11 =	simm.s32 @p2 $0x3;
	p5 =	seq.s32 s30, $0x1;
	p0 =	por !p0, !p0  }
0x1bb: {  	s11 =	simm.s32 @p3 $0x4;
	p0 =	por !p0, !p5  }
0x1bc: {  	s31 =	sld [smem:$0x3F8E];
	s11 =	simm.s32 @p4 $0x5;
	p0 =	por !p0, !p0  }
0x1bd: {  	s9 =	smov.u32 @p0 s10;
	s11 =	simm.s32 @p0 $0x6  }
0x1be: {  	p0 =	sgt.f32 s12, s9;
	s9 =	smov.u32 s11  }
0x1bf: {  	s10 =	smov.u32 s11;
	s9 =	simm.s32 @p6 $0x7  }
0x1c0: {  	s10 =	smov.u32 @p0 s9;
	p0 =	seq.s32 s31, $0x1  }
.Ltmp1:
0x1c1: {  	_ = 	snop;
	(pc) =	sbr.rel @p0 .LBB1_2-.Ltmp1, $3  }
0x1c2: {  	_ = 	snop  }
0x1c3: {  	s7 =	sadd.s32 $0x200, s7;
	p1 =	sne.s32 s17, $0x7  }
0x1c4: {  	s8 =	sadd.s32 $0x1, s8;
	[smem:s6+$0x412] =	sst s17;
	s11 =	smov.u32 @p1 s10  }
0x1c5: {  	s7 =	sshra.s32 s5, $0x2;
	[smem:s6+$0x413] =	sst s11  }
0x1c6: {  	[smem:s7+$0x410] =	sst s8  }
0x1c7: {  	s6 =	sld [smem:s7+$0x10];
	_ =	sdelay $0x3  }
0x1c8: {  	p0 =	sgt.f32 s6, $-3.000000010e+38;
	_ =	sdelay $0x1  }
0x1c9: {  	p1 =	sne.s32 s5, $0x0;
	s14 =	sld [smem:s7+$0x11];
	s8 =	simm.s32 @!p0 $0x0  }
0x1ca: {  	s8 =	simm.s32 @p0 $0x1;
	p0 =	por !p1, !p0  }
0x1cb: {  	s16 =	smov.u32 s6;
	p6 =	por !p0, !p0  }
0x1cc: {  	s16 =	simm.s32 @!p6 $0xFF61B1E6  }
0x1cd: {  	[smem:$0x3F74] =	sst s8;
	s8 =	simm.s32 @!p1 $0x0;
	p5 =	sgt.f32 s14, s16  }
0x1ce: {  	s15 =	sld [smem:s7+$0x12];
	s8 =	simm.s32 @p1 $0x1;
	p1 =	sne.s32 s5, $0x200  }
0x1cf: {  	p0 =	por !p1, !p5  }
0x1d0: {  	p3 =	por !p0, !p0  }
0x1d1: {  	s16 =	smov.u32 @p3 s14  }
0x1d2: {  	[smem:$0x3F6D] =	sst s8;
	s8 =	simm.s32 @!p1 $0x0;
	p2 =	sgt.f32 s15, s16  }
0x1d3: {  	s13 =	sld [smem:s7+$0x13];
	s8 =	simm.s32 @p1 $0x1;
	p1 =	sne.s32 s5, $0x400  }
0x1d4: {  	p0 =	por !p1, !p2  }
0x1d5: {  	p5 =	por !p0, !p0  }
0x1d6: {  	s16 =	smov.u32 @p5 s15  }
0x1d7: {  	[smem:$0x3F6E] =	sst s8;
	s8 =	simm.s32 @!p1 $0x0;
	p4 =	sgt.f32 s13, s16  }
0x1d8: {  	s11 =	sld [smem:s7+$0x14];
	s8 =	simm.s32 @p1 $0x1;
	p1 =	sne.s32 s5, $0x600  }
0x1d9: {  	p0 =	por !p1, !p4  }
0x1da: {  	p2 =	por !p0, !p0  }
0x1db: {  	s16 =	smov.u32 @p2 s13  }
0x1dc: {  	s10 =	sld [smem:s7+$0x15];
	p4 =	sgt.f32 s11, s16  }
0x1dd: {  	[smem:$0x3F6F] =	sst s8;
	s8 =	simm.s32 @!p1 $0x0;
	p0 =	sne.s32 s5, $0x800  }
0x1de: {  	s8 =	simm.s32 @p1 $0x1;
	p4 =	por !p0, !p4  }
0x1df: {  	[smem:$0x3F70] =	sst s8;
	s8 =	simm.s32 @!p0 $0x0;
	p4 =	por !p4, !p4  }
0x1e0: {  	s8 =	simm.s32 @p0 $0x1;
	p0 =	sne.s32 s5, $0xA00;
	s16 =	smov.u32 @p4 s11  }
0x1e1: {  	[smem:$0x3F71] =	sst s8;
	s9 =	simm.s32 @!p0 $0x0;
	p1 =	sgt.f32 s10, s16  }
0x1e2: {  	s8 =	sld [smem:s7+$0x16];
	s9 =	simm.s32 @p0 $0x1  }
0x1e3: {  	[smem:$0x3F72] =	sst s9;
	s9 =	simm.s32 $0x1;
	p1 =	por !p0, !p1  }
0x1e4: {  	s9 =	simm.s32 @!p6 $0x0;
	p0 =	por !p1, !p1  }
0x1e5: {  	s9 =	sadd.s32 $0xFFFFFFFF, s9;
	s16 =	smov.u32 @p0 s10  }
0x1e6: {  	s9 =	simm.s32 @p3 $0x1;
	p1 =	sne.s32 s5, $0xC00;
	p6 =	sgt.f32 s8, s16  }
0x1e7: {  	s12 =	sld [smem:s7+$0x17];
	s9 =	simm.s32 @p5 $0x2;
	s5 =	simm.s32 @!p1 $0x0  }
0x1e8: {  	s5 =	simm.s32 @p1 $0x1;
	s9 =	simm.s32 @p2 $0x3;
	p1 =	por !p1, !p6  }
0x1e9: {  	s25 =	sld [smem:$0x3F99];
	s9 =	simm.s32 @p4 $0x4;
	p1 =	por !p1, !p1  }
0x1ea: {  	s9 =	simm.s32 @p0 $0x5;
	s16 =	smov.u32 @p1 s8  }
0x1eb: {  	s26 =	sld [smem:$0x3F6D];
	s9 =	simm.s32 @p1 $0x6;
	p0 =	sgt.f32 s12, s16  }
0x1ec: {  	[smem:$0x3F73] =	sst s5;
	s5 =	smov.u32 s9  }
0x1ed: {  	s5 =	simm.s32 @p0 $0x7;
	p0 =	seq.s32 s25, $0x1  }
0x1ee: {  	s28 =	sld [smem:$0x3F74];
	s9 =	smov.u32 @p0 s5  }
0x1ef: {  	s29 =	sld [smem:$0x3F6E];
	p6 =	seq.s32 s26, $0x1;
	p0 =	sne.s32 s9, $0x0  }
0x1f0: {  	p0 =	por !p6, !p0  }
0x1f1: {  	p0 =	por !p0, !p0  }
0x1f2: {  	p2 =	seq.s32 s28, $0x1;
	s5 =	simm.s32 @!p0 $0x0  }
0x1f3: {  	p4 =	seq.s32 s29, $0x1;
	s5 =	simm.s32 @p0 $0x1;
	p0 =	por !p0, !p2  }
0x1f4: {  	s16 =	smov.u32 s6;
	p3 =	sne.s32 s9, $0x1;
	p6 =	por !p0, !p0  }
0x1f5: {  	s30 =	sld [smem:$0x3F6F];
	p0 =	por !p4, !p3;
	s16 =	simm.s32 @!p6 $0xFF61B1E6  }
0x1f6: {  	p0 =	por !p0, !p0;
	p5 =	sgt.f32 s14, s16  }
0x1f7: {  	[smem:$0x3F75] =	sst s5;
	s5 =	simm.s32 @!p0 $0x0  }
0x1f8: {  	s5 =	simm.s32 @p0 $0x1;
	p0 =	por !p0, !p5  }
0x1f9: {  	p2 =	sne.s32 s9, $0x2;
	p3 =	seq.s32 s30, $0x1;
	p5 =	por !p0, !p0  }
0x1fa: {  	s31 =	sld [smem:$0x3F70];
	p0 =	por !p3, !p2;
	s16 =	smov.u32 @p5 s14  }
0x1fb: {  	p0 =	por !p0, !p0;
	p4 =	sgt.f32 s15, s16  }
0x1fc: {  	[smem:$0x3F76] =	sst s5;
	s5 =	simm.s32 @!p0 $0x0  }
0x1fd: {  	s5 =	simm.s32 @p0 $0x1;
	p0 =	por !p0, !p4  }
0x1fe: {  	p1 =	sne.s32 s9, $0x3;
	p2 =	seq.s32 s31, $0x1;
	p4 =	por !p0, !p0  }
0x1ff: {  	s17 =	sld [smem:$0x3F71];
	p0 =	por !p2, !p1;
	s16 =	smov.u32 @p4 s15  }
0x200: {  	p0 =	por !p0, !p0;
	p3 =	sgt.f32 s13, s16  }
0x201: {  	[smem:$0x3F77] =	sst s5;
	s5 =	simm.s32 @!p0 $0x0  }
0x202: {  	s5 =	simm.s32 @p0 $0x1;
	p0 =	por !p0, !p3  }
0x203: {  	p1 =	sne.s32 s9, $0x4;
	p2 =	seq.s32 s17, $0x1;
	p3 =	por !p0, !p0  }
0x204: {  	s18 =	sld [smem:$0x3F72];
	p0 =	por !p2, !p1;
	s16 =	smov.u32 @p3 s13  }
0x205: {  	p0 =	por !p0, !p0;
	p2 =	sgt.f32 s11, s16  }
0x206: {  	[smem:$0x3F78] =	sst s5;
	s5 =	simm.s32 @!p0 $0x0  }
0x207: {  	s5 =	simm.s32 @p0 $0x1;
	p0 =	por !p0, !p2  }
0x208: {  	p1 =	sne.s32 s9, $0x5;
	p2 =	por !p0, !p0;
	p0 =	seq.s32 s18, $0x1  }
0x209: {  	s16 =	smov.u32 @p2 s11;
	p1 =	por !p0, !p1  }
0x20a: {  	s17 =	sld [smem:$0x3F73];
	p0 =	sgt.f32 s10, s16;
	p1 =	por !p1, !p1  }
0x20b: {  	[smem:$0x3F79] =	sst s5;
	s5 =	simm.s32 @!p1 $0x0  }
0x20c: {  	s19 =	sld [smem:$0x3F99];
	s5 =	simm.s32 @p1 $0x1;
	p0 =	por !p1, !p0  }
0x20d: {  	p1 =	sne.s32 s9, $0x6;
	[smem:$0x3F7A] =	sst s5;
	s5 =	simm.s32 $0x1  }
0x20e: {  	p0 =	por !p0, !p0;
	s5 =	simm.s32 @!p6 $0x0;
	p6 =	seq.s32 s17, $0x1  }
0x20f: {  	s16 =	smov.u32 @p0 s10;
	s5 =	sadd.s32 $0xFFFFFFFF, s5;
	p1 =	por !p6, !p1  }
0x210: {  	p6 =	sgt.f32 s8, s16;
	s5 =	simm.s32 @p5 $0x1;
	p1 =	por !p1, !p1  }
0x211: {  	s5 =	simm.s32 @p4 $0x2;
	s17 =	simm.s32 @!p1 $0x0  }
0x212: {  	s17 =	simm.s32 @p1 $0x1;
	s5 =	simm.s32 @p3 $0x3;
	p1 =	por !p1, !p6  }
0x213: {  	s20 =	sld [smem:$0x3F74];
	s5 =	simm.s32 @p2 $0x4;
	p1 =	por !p1, !p1  }
0x214: {  	p5 =	seq.s32 s19, $0x1;
	s5 =	simm.s32 @p0 $0x5;
	s16 =	smov.u32 @p1 s8  }
0x215: {  	p4 =	sne.s32 s9, $0x7;
	s5 =	simm.s32 @p1 $0x6;
	p1 =	sgt.f32 s12, s16  }
0x216: {  	p0 =	por !p5, !p4;
	s16 =	smov.u32 s5  }
0x217: {  	s21 =	sld [smem:$0x3F75];
	p0 =	por !p0, !p0;
	s16 =	simm.s32 @p1 $0x7  }
0x218: {  	[smem:$0x3F7B] =	sst s17;
	s17 =	simm.s32 @!p0 $0x0;
	s5 =	smov.u32 @p0 s16  }
0x219: {  	p6 =	seq.s32 s20, $0x1;
	s17 =	simm.s32 @p0 $0x1;
	p0 =	sne.s32 s5, $0x0  }
0x21a: {  	p0 =	por !p0, !p6  }
0x21b: {  	p2 =	seq.s32 s21, $0x1;
	p0 =	por !p0, !p0  }
0x21c: {  	p0 =	por !p0, !p2  }
0x21d: {  	p0 =	por !p0, !p0  }
0x21e: {  	s22 =	sld [smem:$0x3F76];
	s6 =	simm.s32 @!p0 $0xFF61B1E6  }
0x21f: {  	p3 =	sgt.f32 s14, s6  }
0x220: {  	p4 =	sne.s32 s5, $0x1  }
0x221: {  	p2 =	por !p4, !p3  }
0x222: {  	p5 =	seq.s32 s22, $0x1;
	p2 =	por !p2, !p2  }
0x223: {  	p2 =	por !p2, !p5  }
0x224: {  	p3 =	por !p2, !p2  }
0x225: {  	s23 =	sld [smem:$0x3F77];
	s6 =	smov.u32 @p3 s14  }
0x226: {  	p6 =	sgt.f32 s15, s6  }
0x227: {  	p1 =	sne.s32 s5, $0x2  }
0x228: {  	p2 =	por !p1, !p6  }
0x229: {  	p5 =	seq.s32 s23, $0x1;
	p2 =	por !p2, !p2  }
0x22a: {  	p2 =	por !p2, !p5  }
0x22b: {  	p4 =	por !p2, !p2  }
0x22c: {  	s24 =	sld [smem:$0x3F78];
	s6 =	smov.u32 @p4 s15  }
0x22d: {  	p6 =	sgt.f32 s13, s6  }
0x22e: {  	p1 =	sne.s32 s5, $0x3  }
0x22f: {  	p2 =	por !p1, !p6  }
0x230: {  	p5 =	seq.s32 s24, $0x1;
	p2 =	por !p2, !p2  }
0x231: {  	p2 =	por !p2, !p5  }
0x232: {  	p5 =	por !p2, !p2  }
0x233: {  	s25 =	sld [smem:$0x3F79];
	s6 =	smov.u32 @p5 s13  }
0x234: {  	p6 =	sgt.f32 s11, s6  }
0x235: {  	p1 =	sne.s32 s5, $0x4  }
0x236: {  	p2 =	por !p1, !p6  }
0x237: {  	p6 =	seq.s32 s25, $0x1;
	p2 =	por !p2, !p2  }
0x238: {  	p2 =	por !p2, !p6  }
0x239: {  	p6 =	por !p2, !p2  }
0x23a: {  	s26 =	sld [smem:$0x3F7A];
	s6 =	smov.u32 @p6 s11  }
0x23b: {  	p2 =	sgt.f32 s10, s6  }
0x23c: {  	p1 =	sne.s32 s5, $0x5  }
0x23d: {  	p1 =	por !p1, !p2  }
0x23e: {  	p2 =	seq.s32 s26, $0x1;
	p1 =	por !p1, !p1  }
0x23f: {  	p1 =	por !p1, !p2  }
0x240: {  	s4 =	simm.s32 @!p0 $0x0;
	p1 =	por !p1, !p1  }
0x241: {  	s28 =	sld [smem:$0x3F7B];
	s4 =	sadd.s32 $0xFFFFFFFF, s4;
	s6 =	smov.u32 @p1 s10  }
0x242: {  	s4 =	simm.s32 @p3 $0x1;
	p2 =	sgt.f32 s8, s6  }
0x243: {  	[smem:$0x3F7C] =	sst s17;
	p3 =	sne.s32 s5, $0x6;
	s4 =	simm.s32 @p4 $0x2  }
0x244: {  	s29 =	sld [smem:$0x3F7C];
	s4 =	simm.s32 @p5 $0x3;
	p0 =	por !p3, !p2  }
0x245: {  	s4 =	simm.s32 @p6 $0x4;
	p6 =	seq.s32 s28, $0x1;
	p0 =	por !p0, !p0  }
0x246: {  	p0 =	por !p0, !p6  }
0x247: {  	s4 =	simm.s32 @p1 $0x5;
	p0 =	por !p0, !p0  }
0x248: {  	s6 =	smov.u32 @p0 s8;
	s4 =	simm.s32 @p0 $0x6  }
0x249: {  	p1 =	seq.s32 s29, $0x1;
	p0 =	sgt.f32 s12, s6;
	s6 =	smov.u32 s4  }
0x24a: {  	s8 =	smov.u32 s4;
	s6 =	simm.s32 @p1 $0x7  }
0x24b: {  	[smem:s7+$0x411] =	sst s9;
	s8 =	smov.u32 @p0 s6;
	p0 =	sne.s32 s5, $0x7  }
0x24c: {  	[smem:s7+$0x412] =	sst s5;
	s4 =	smov.u32 @p0 s8  }
0x24d: {  	s30 =	simm.s32 $0x410;
	s31 =	simm.s32 $0x9;
	[smem:s7+$0x413] =	sst s4  }
0x24e: {  	[hbm:s3], [sflag:s2] =	dma.local [smem:s30], $0x80  }
0x24f: {  	_ =	swait.ge [sflag:s31], $0x80  }
0x250: {  	[sflag:s31] =	ssyncset.done $0x0  }
0x251: {  	[sflag:s31] =	ssyncadd.s32 $0xFFFFFF80  }
.LBB1_4:
0x252: {  	_ =	strace $0x90000046  }
0x253: {  	_ =	sfence  }
0x254: {  	s2 =	sld [smem:$0x0];
	_ =	sdelay $0x2  }
0x255: {  	s3 =	sshll.u32 s1, $0xD;
	s31 =	sshrl.u32 s1, $0x2  }
0x256: {  	s3 =	sand.u32 $0x4000, s3;
	s1 =	sadd.s32 s31, s2  }
0x257: {  	s0 =	sor.u32 s3, s0;
	s1 =	sshll.u32 s1, $0x11  }
0x258: {  	s0 =	sor.u32 s1, s0  }
0x259: {  	s0 =	sadd.s32 $0x8F2B, s0;
	(pc) =	sbr.abs _section_cstart, $3  }
0x25a: {  	[sflag:s0] =	ssyncadd.remote.s32 $0x1  }
0x25b: {  	_ =	strace $0x9FFFFFFF  }
0x25c: {  	(tm) =	ssettm $0x7FFFFFFF  }
0x25d: {  	_ =	shalt  }

</sc_bundles>
